<compile_context>
chip_gen: v7x
topology: tpu7x:2x2x1
jax: 0.10.2.dev20260603
libtpu: 0.0.44.dev20260713+nightly
codegen_flags: <defaults>
</compile_context>

<pallas_src>
import jax
import jax.numpy as jnp
from jax import lax
from jax.experimental import pallas as pl
from jax.experimental.pallas import tpu as pltpu
from jax.experimental.pallas import tpu_sc as plsc

N = 10000
E = 320000
D = 128
NC = 2
NS = 16
NW = NC * NS
RPT = N // NS

EW = E // NW
K = 125
NCH = EW // K
PH = 2
CPP = NCH // PH
KD = 125
NCHD = EW // KD
ZR = 125
DW = 8

_sc_mesh = plsc.VectorSubcoreMesh(core_axis_name="c", subcore_axis_name="s")


def _deg_body(dst_hbm, ones_hbm, zeros_hbm, degp_hbm, dstv, onesv, degsp, sem):
    cid = lax.axis_index("c")
    sid = lax.axis_index("s")
    w = cid * NS + sid
    pltpu.sync_copy(dst_hbm.at[w], dstv)
    pltpu.sync_copy(ones_hbm, onesv)
    pltpu.sync_copy(zeros_hbm, degsp.at[pl.ds(sid * RPT, RPT)])
    plsc.subcore_barrier()

    def fire(j, carry):
        pltpu.sync_copy(onesv, degsp.at[dstv.at[j]], add=True)
        return carry

    lax.fori_loop(0, NCHD, fire, 0)
    plsc.subcore_barrier()
    pltpu.sync_copy(degsp.at[pl.ds(sid * RPT, RPT)], degp_hbm.at[cid, sid])


_deg_call = pl.kernel(
    _deg_body,
    out_type=jax.ShapeDtypeStruct((NC, NS, RPT, DW), jnp.float32),
    mesh=_sc_mesh,
    scratch_types=[
        pltpu.VMEM((NCHD, KD), jnp.int32),
        pltpu.VMEM((KD, DW), jnp.float32),
        pltpu.VMEM_SHARED((N, DW), jnp.float32),
        pltpu.SemaphoreType.DMA,
    ],
)


def _scatter_body(xh_hbm, src_hbm, dst_hbm, zeros_hbm, acc_hbm,
                  srcv, dstv, rows0, rows1, accsp, gsem):
    cid = lax.axis_index("c")
    sid = lax.axis_index("s")
    w = cid * NS + sid

    def zbody(j, carry):
        pltpu.sync_copy(zeros_hbm, accsp.at[pl.ds((sid * 5 + j) * ZR, ZR)])
        return carry

    lax.fori_loop(0, 5, zbody, 0)
    plsc.subcore_barrier()

    bufs = (rows0, rows1)
    for p in range(PH):
        pltpu.sync_copy(src_hbm.at[w, pl.ds(p * CPP, CPP)], srcv)
        pltpu.sync_copy(dst_hbm.at[w, pl.ds(p * CPP, CPP)], dstv)
        pltpu.async_copy(xh_hbm.at[srcv.at[0]], rows0, gsem[0]).wait()

        def body(g, carry):
            for b in range(2):
                jj = g * 2 + b
                jn = jnp.minimum(jj + 1, CPP - 1)
                cp = pltpu.async_copy(xh_hbm.at[srcv.at[jn]], bufs[1 - b],
                                      gsem[1 - b])
                pltpu.sync_copy(bufs[b], accsp.at[dstv.at[jj]], add=True)
                cp.wait()
            return carry

        lax.fori_loop(0, CPP // 2, body, 0)

    plsc.subcore_barrier()
    pltpu.sync_copy(accsp.at[pl.ds(sid * RPT, RPT)], acc_hbm.at[cid, sid])


_scatter_call = pl.kernel(
    _scatter_body,
    out_type=jax.ShapeDtypeStruct((NC, NS, RPT, D), jnp.float32),
    mesh=_sc_mesh,
    scratch_types=[
        pltpu.VMEM((CPP, K), jnp.int32),
        pltpu.VMEM((CPP, K), jnp.int32),
        pltpu.VMEM((K, D), jnp.float32),
        pltpu.VMEM((K, D), jnp.float32),
        pltpu.VMEM_SHARED((N, D), jnp.float32),
        [pltpu.SemaphoreType.DMA] * 2,
    ],
)


BR = 1000


def _mm_body(x_ref, w_ref, degp_ref, xh_ref):
    xw = jnp.dot(x_ref[...], w_ref[...], preferred_element_type=jnp.float32)
    deg = degp_ref[0, :, 0] + degp_ref[1, :, 0] + 1.0
    xh_ref[...] = xw * lax.rsqrt(deg).reshape(BR, 1)


def _mm_call(x, W1, degp):
    return pl.pallas_call(
        _mm_body,
        grid=(N // BR,),
        in_specs=[
            pl.BlockSpec((BR, D), lambda i: (i, 0)),
            pl.BlockSpec((D, D), lambda i: (0, 0)),
            pl.BlockSpec((NC, BR, DW), lambda i: (0, i, 0)),
        ],
        out_specs=pl.BlockSpec((BR, D), lambda i: (i, 0)),
        out_shape=jax.ShapeDtypeStruct((N, D), jnp.float32),
    )(x, W1, degp)


def _final_body(acc_ref, xh_ref, degp_ref, b_ref, out_ref):
    h = acc_ref[0] + acc_ref[1] + xh_ref[...]
    deg = degp_ref[0, :, 0] + degp_ref[1, :, 0] + 1.0
    dinv = lax.rsqrt(deg).reshape(BR, 1)
    out_ref[...] = jnp.maximum(h * dinv + b_ref[...], 0.0)


def _final_call(acc, xh, degp, b2):
    return pl.pallas_call(
        _final_body,
        grid=(N // BR,),
        in_specs=[
            pl.BlockSpec((NC, BR, D), lambda i: (0, i, 0)),
            pl.BlockSpec((BR, D), lambda i: (i, 0)),
            pl.BlockSpec((NC, BR, DW), lambda i: (0, i, 0)),
            pl.BlockSpec((1, D), lambda i: (0, 0)),
        ],
        out_specs=pl.BlockSpec((BR, D), lambda i: (i, 0)),
        out_shape=jax.ShapeDtypeStruct((N, D), jnp.float32),
    )(acc, xh, degp, b2)


def kernel(x, edge_index, W1, b1):
    src = edge_index[0]
    dst = edge_index[1]

    dstd = dst.reshape(NW, NCHD, KD)
    ones8 = jnp.ones((KD, DW), jnp.float32)
    zeros8 = jnp.zeros((RPT, DW), jnp.float32)
    degp = _deg_call(dstd, ones8, zeros8).reshape(NC, N, DW)

    xh = _mm_call(x, W1, degp)

    srcw = src.reshape(NW, NCH, K)
    dstw = dst.reshape(NW, NCH, K)
    zeros128 = jnp.zeros((ZR, D), jnp.float32)
    acc = _scatter_call(xh, srcw, dstw, zeros128).reshape(NC, N, D)

    return _final_call(acc, xh, degp, b1.reshape(1, D))

# --- scband reference (transcript-rebuilt; emitter-appended) ---
"""Pipeline reference for scband-gcnencoder-84421877170205 (READ-ONLY COPY).

The authoritative reference and input builder live on the scoring server;
editing this copy changes nothing except your own understanding.
"""

import jax, jax.numpy as jnp
import numpy as np

N = 10000
E = 320000
D_IN = 128
D_OUT = 128


def setup_inputs(seed: int = 0) -> dict:
    key = jax.random.key(seed)
    k1, k2, k3 = jax.random.split(key, 3)
    x = jax.random.normal(k1, (N, D_IN), dtype=jnp.float32)
    edge_index = jax.random.randint(k2, (2, E), 0, N, dtype=jnp.int32)
    W1 = jax.random.normal(k3, (D_IN, D_OUT), dtype=jnp.float32) * (1.0 / np.sqrt(D_IN))
    b1 = jnp.zeros((D_OUT,), dtype=jnp.float32)
    return {"x": x, "edge_index": edge_index, "W1": W1, "b1": b1}


def _gcn_conv(x, edge_index, W, b):
    # PyG GCNConv with add_self_loops=True, normalize=True (symmetric norm)
    src = edge_index[0]
    dst = edge_index[1]
    loop = jnp.arange(N, dtype=edge_index.dtype)
    src = jnp.concatenate([src, loop])
    dst = jnp.concatenate([dst, loop])
    # degree computed on destination nodes with unit edge weights (incl. self-loops)
    deg = jnp.zeros((N,), dtype=x.dtype).at[dst].add(1.0)
    dinv = jnp.where(deg > 0, 1.0 / jnp.sqrt(deg), 0.0)
    norm = dinv[src] * dinv[dst]
    xw = x @ W
    msg = jnp.take(xw, src, axis=0) * norm[:, None]
    out = jnp.zeros((N, W.shape[1]), dtype=x.dtype).at[dst].add(msg)
    return out + b


def reference(x, edge_index, W1, b1):
    # dropout is identity in eval mode (training=False)
    h = _gcn_conv(x, edge_index, W1, b1)
    h = jax.nn.relu(h)
    return h

if __name__ == "__main__":
    import jax
    _d = setup_inputs()
    print(jax.jit(kernel)(*tuple(_d.values())))

</pallas_src>

<mosaic_0001>
#map = affine_map<(d0, d1) -> (0, 0)>
#map1 = affine_map<(d0, d1) -> (0, 0, 0)>
#map2 = affine_map<(d0, d1) -> (0, 0, 0, 0)>
module attributes {stable_mosaic.version = 14 : i64} {
  func.func @_scatter_body(%arg0: i32, %arg1: i32, %arg2: memref<10000x128xf32, #tpu.memory_space<hbm>>, %arg3: memref<32x80x125xi32, #tpu.memory_space<hbm>>, %arg4: memref<32x80x125xi32, #tpu.memory_space<hbm>>, %arg5: memref<125x128xf32, #tpu.memory_space<hbm>>, %arg6: memref<2x16x625x128xf32, #tpu.memory_space<hbm>>, %arg7: memref<40x125xi32, #tpu.memory_space<vmem>>, %arg8: memref<40x125xi32, #tpu.memory_space<vmem>>, %arg9: memref<125x128xf32, #tpu.memory_space<vmem>>, %arg10: memref<125x128xf32, #tpu.memory_space<vmem>>, %arg11: memref<10000x128xf32, #tpu.memory_space<vmem_shared>>, %arg12: memref<!tpu.dma_semaphore, #tpu.memory_space<semaphore_mem>>, %arg13: memref<!tpu.dma_semaphore, #tpu.memory_space<semaphore_mem>>) attributes {dimension_semantics = [#tpu.dimension_semantics<core_parallel>, #tpu.dimension_semantics<subcore_parallel>], iteration_bounds = array<i64: 2, 16>, scalar_prefetch = 0 : i64, scratch_operands = 7 : i64, tpu.core_type = #tpu.core_type<sc_vector_subcore>, window_params = [{transform_indices = #map}, {transform_indices = #map1}, {transform_indices = #map1}, {transform_indices = #map}, {transform_indices = #map2}]} {
    %mul3A = arith.constant 16 : i32
    %mul3A_0 = arith.muli %arg0, %mul3A : i32
    %add3A = arith.addi %mul3A_0, %arg1 : i32
    %scan3A = arith.constant 0 : i32
    %scan3A_1 = arith.constant 0 : i32
    %scan3A_2 = arith.constant 5 : i32
    %scan3A_3 = arith.addi %scan3A_1, %scan3A_2 : i32
    %scan3A_4 = arith.constant 1 : i32
    scf.for %scan3A_47 = %scan3A_1 to %scan3A_3 step %scan3A_4  : i32 {
      %mul3A_48 = arith.constant 5 : i32
      %mul3A_49 = arith.muli %arg1, %mul3A_48 : i32
      %add3A_50 = arith.addi %mul3A_49, %scan3A_47 : i32
      %mul3A_51 = arith.constant 125 : i32
      %mul3A_52 = arith.muli %add3A_50, %mul3A_51 : i32
      "tpu.region"() ({
        %run_scoped3A = tpu.sem_alloc : memref<!tpu.dma_semaphore, #tpu.memory_space<semaphore_mem>>
        %dma_start3A_53 = arith.constant 0 : i32
        %dma_start3A_54 = tpu.memref_slice %arg11[%mul3A_52, %dma_start3A_53] : memref<10000x128xf32, #tpu.memory_space<vmem_shared>> -> memref<125x128xf32, #tpu.memory_space<vmem_shared>>
        tpu.enqueue_dma source(%arg5 : memref<125x128xf32, #tpu.memory_space<hbm>>) target(%dma_start3A_54 : memref<125x128xf32, #tpu.memory_space<vmem_shared>>) target_semaphore(%run_scoped3A : memref<!tpu.dma_semaphore, #tpu.memory_space<semaphore_mem>>)
        %dma_wait3A_55 = arith.constant 0 : i32
        %dma_wait3A_56 = tpu.memref_slice %arg11[%mul3A_52, %dma_wait3A_55] : memref<10000x128xf32, #tpu.memory_space<vmem_shared>> -> memref<125x128xf32, #tpu.memory_space<vmem_shared>>
        tpu.wait_dma2 semaphore(%run_scoped3A : memref<!tpu.dma_semaphore, #tpu.memory_space<semaphore_mem>>) src(%arg5 : memref<125x128xf32, #tpu.memory_space<hbm>>) dst(%dma_wait3A_56 : memref<125x128xf32, #tpu.memory_space<vmem_shared>>)
        tpu.yield
      }) : () -> ()
    }
    %scan3A_5 = arith.constant 5 : i32
    %barrier3A = arith.constant 0 : index
    tpu.barrier barrier_id(%barrier3A)
    "tpu.region"() ({
      %run_scoped3A = tpu.sem_alloc : memref<!tpu.dma_semaphore, #tpu.memory_space<semaphore_mem>>
      %dma_start3A_47 = arith.constant 0 : i32
      %dma_start3A_48 = arith.constant 0 : i32
      %dma_start3A_49 = tpu.memref_slice %arg3[%add3A, %dma_start3A_47, %dma_start3A_48] : memref<32x80x125xi32, #tpu.memory_space<hbm>> -> memref<1x40x125xi32, #tpu.memory_space<hbm>>
      %dma_start3A_50 = tpu.memref_squeeze %dma_start3A_49 : memref<1x40x125xi32, #tpu.memory_space<hbm>> -> memref<40x125xi32, #tpu.memory_space<hbm>>
      %dma_start3A_51 = arith.constant 0 : i32
      %dma_start3A_52 = arith.constant 0 : i32
      %dma_start3A_53 = tpu.memref_slice %arg3[%add3A, %dma_start3A_51, %dma_start3A_52] : memref<32x80x125xi32, #tpu.memory_space<hbm>> -> memref<1x40x125xi32, #tpu.memory_space<hbm>>
      %dma_start3A_54 = tpu.memref_squeeze %dma_start3A_53 : memref<1x40x125xi32, #tpu.memory_space<hbm>> -> memref<40x125xi32, #tpu.memory_space<hbm>>
      tpu.enqueue_dma source(%dma_start3A_54 : memref<40x125xi32, #tpu.memory_space<hbm>>) target(%arg7 : memref<40x125xi32, #tpu.memory_space<vmem>>) target_semaphore(%run_scoped3A : memref<!tpu.dma_semaphore, #tpu.memory_space<semaphore_mem>>)
      %dma_wait3A_55 = arith.constant 0 : i32
      %dma_wait3A_56 = arith.constant 0 : i32
      %dma_wait3A_57 = tpu.memref_slice %arg3[%add3A, %dma_wait3A_55, %dma_wait3A_56] : memref<32x80x125xi32, #tpu.memory_space<hbm>> -> memref<1x40x125xi32, #tpu.memory_space<hbm>>
      %dma_wait3A_58 = tpu.memref_squeeze %dma_wait3A_57 : memref<1x40x125xi32, #tpu.memory_space<hbm>> -> memref<40x125xi32, #tpu.memory_space<hbm>>
      %dma_wait3A_59 = arith.constant 0 : i32
      %dma_wait3A_60 = arith.constant 0 : i32
      %dma_wait3A_61 = tpu.memref_slice %arg3[%add3A, %dma_wait3A_59, %dma_wait3A_60] : memref<32x80x125xi32, #tpu.memory_space<hbm>> -> memref<1x40x125xi32, #tpu.memory_space<hbm>>
      %dma_wait3A_62 = tpu.memref_squeeze %dma_wait3A_61 : memref<1x40x125xi32, #tpu.memory_space<hbm>> -> memref<40x125xi32, #tpu.memory_space<hbm>>
      tpu.wait_dma2 semaphore(%run_scoped3A : memref<!tpu.dma_semaphore, #tpu.memory_space<semaphore_mem>>) src(%dma_wait3A_62 : memref<40x125xi32, #tpu.memory_space<hbm>>) dst(%arg7 : memref<40x125xi32, #tpu.memory_space<vmem>>)
      tpu.yield
    }) : () -> ()
    "tpu.region"() ({
      %run_scoped3A = tpu.sem_alloc : memref<!tpu.dma_semaphore, #tpu.memory_space<semaphore_mem>>
      %dma_start3A_47 = arith.constant 0 : i32
      %dma_start3A_48 = arith.constant 0 : i32
      %dma_start3A_49 = tpu.memref_slice %arg4[%add3A, %dma_start3A_47, %dma_start3A_48] : memref<32x80x125xi32, #tpu.memory_space<hbm>> -> memref<1x40x125xi32, #tpu.memory_space<hbm>>
      %dma_start3A_50 = tpu.memref_squeeze %dma_start3A_49 : memref<1x40x125xi32, #tpu.memory_space<hbm>> -> memref<40x125xi32, #tpu.memory_space<hbm>>
      %dma_start3A_51 = arith.constant 0 : i32
      %dma_start3A_52 = arith.constant 0 : i32
      %dma_start3A_53 = tpu.memref_slice %arg4[%add3A, %dma_start3A_51, %dma_start3A_52] : memref<32x80x125xi32, #tpu.memory_space<hbm>> -> memref<1x40x125xi32, #tpu.memory_space<hbm>>
      %dma_start3A_54 = tpu.memref_squeeze %dma_start3A_53 : memref<1x40x125xi32, #tpu.memory_space<hbm>> -> memref<40x125xi32, #tpu.memory_space<hbm>>
      tpu.enqueue_dma source(%dma_start3A_54 : memref<40x125xi32, #tpu.memory_space<hbm>>) target(%arg8 : memref<40x125xi32, #tpu.memory_space<vmem>>) target_semaphore(%run_scoped3A : memref<!tpu.dma_semaphore, #tpu.memory_space<semaphore_mem>>)
      %dma_wait3A_55 = arith.constant 0 : i32
      %dma_wait3A_56 = arith.constant 0 : i32
      %dma_wait3A_57 = tpu.memref_slice %arg4[%add3A, %dma_wait3A_55, %dma_wait3A_56] : memref<32x80x125xi32, #tpu.memory_space<hbm>> -> memref<1x40x125xi32, #tpu.memory_space<hbm>>
      %dma_wait3A_58 = tpu.memref_squeeze %dma_wait3A_57 : memref<1x40x125xi32, #tpu.memory_space<hbm>> -> memref<40x125xi32, #tpu.memory_space<hbm>>
      %dma_wait3A_59 = arith.constant 0 : i32
      %dma_wait3A_60 = arith.constant 0 : i32
      %dma_wait3A_61 = tpu.memref_slice %arg4[%add3A, %dma_wait3A_59, %dma_wait3A_60] : memref<32x80x125xi32, #tpu.memory_space<hbm>> -> memref<1x40x125xi32, #tpu.memory_space<hbm>>
      %dma_wait3A_62 = tpu.memref_squeeze %dma_wait3A_61 : memref<1x40x125xi32, #tpu.memory_space<hbm>> -> memref<40x125xi32, #tpu.memory_space<hbm>>
      tpu.wait_dma2 semaphore(%run_scoped3A : memref<!tpu.dma_semaphore, #tpu.memory_space<semaphore_mem>>) src(%dma_wait3A_62 : memref<40x125xi32, #tpu.memory_space<hbm>>) dst(%arg8 : memref<40x125xi32, #tpu.memory_space<vmem>>)
      tpu.yield
    }) : () -> ()
    %dma_start3A = arith.constant 0 : i32
    %dma_start3A_6 = arith.constant 0 : i32
    %dma_start3A_7 = tpu.memref_slice %arg7[%dma_start3A, %dma_start3A_6] : memref<40x125xi32, #tpu.memory_space<vmem>> -> memref<1x125xi32, #tpu.memory_space<vmem>>
    %dma_start3A_8 = tpu.memref_squeeze %dma_start3A_7 : memref<1x125xi32, #tpu.memory_space<vmem>> -> memref<125xi32, #tpu.memory_space<vmem>>
    %dma_start3A_9 = arith.constant 0 : i32
    %dma_start3A_10 = arith.constant 0 : i32
    %dma_start3A_11 = tpu.memref_slice %arg2[%dma_start3A_9, %dma_start3A_10] : memref<10000x128xf32, #tpu.memory_space<hbm>> -> memref<10000x128xf32, #tpu.memory_space<hbm>>
    tpu.enqueue_indirect_dma source(%dma_start3A_11 : memref<10000x128xf32, #tpu.memory_space<hbm>>) target(%arg9 : memref<125x128xf32, #tpu.memory_space<vmem>>) offsets(%dma_start3A_8 : memref<125xi32, #tpu.memory_space<vmem>>) semaphore(%arg12 : memref<!tpu.dma_semaphore, #tpu.memory_space<semaphore_mem>>)
    %dma_wait3A = arith.constant 0 : i32
    %dma_wait3A_12 = arith.constant 0 : i32
    %dma_wait3A_13 = tpu.memref_slice %arg7[%dma_wait3A, %dma_wait3A_12] : memref<40x125xi32, #tpu.memory_space<vmem>> -> memref<1x125xi32, #tpu.memory_space<vmem>>
    %dma_wait3A_14 = tpu.memref_squeeze %dma_wait3A_13 : memref<1x125xi32, #tpu.memory_space<vmem>> -> memref<125xi32, #tpu.memory_space<vmem>>
    %dma_wait3A_15 = arith.constant 0 : i32
    %dma_wait3A_16 = arith.constant 0 : i32
    %dma_wait3A_17 = tpu.memref_slice %arg2[%dma_wait3A_15, %dma_wait3A_16] : memref<10000x128xf32, #tpu.memory_space<hbm>> -> memref<10000x128xf32, #tpu.memory_space<hbm>>
    tpu.wait_indirect_dma semaphore(%arg12 : memref<!tpu.dma_semaphore, #tpu.memory_space<semaphore_mem>>) src(%dma_wait3A_17 : memref<10000x128xf32, #tpu.memory_space<hbm>>) dst(%arg9 : memref<125x128xf32, #tpu.memory_space<vmem>>)
    %scan3A_18 = arith.constant 0 : i32
    %scan3A_19 = arith.constant 0 : i32
    %scan3A_20 = arith.constant 20 : i32
    %scan3A_21 = arith.addi %scan3A_19, %scan3A_20 : i32
    %scan3A_22 = arith.constant 1 : i32
    scf.for %scan3A_47 = %scan3A_19 to %scan3A_21 step %scan3A_22  : i32 {
      %mul3A_48 = arith.constant 2 : i32
      %mul3A_49 = arith.muli %scan3A_47, %mul3A_48 : i32
      %add3A_50 = arith.constant 0 : i32
      %add3A_51 = arith.addi %mul3A_49, %add3A_50 : i32
      %add3A_52 = arith.constant 1 : i32
      %add3A_53 = arith.addi %add3A_51, %add3A_52 : i32
      %min3A = arith.constant 39 : i32
      %min3A_54 = arith.minsi %add3A_53, %min3A : i32
      %dma_start3A_55 = arith.constant 0 : i32
      %dma_start3A_56 = tpu.memref_slice %arg7[%min3A_54, %dma_start3A_55] : memref<40x125xi32, #tpu.memory_space<vmem>> -> memref<1x125xi32, #tpu.memory_space<vmem>>
      %dma_start3A_57 = tpu.memref_squeeze %dma_start3A_56 : memref<1x125xi32, #tpu.memory_space<vmem>> -> memref<125xi32, #tpu.memory_space<vmem>>
      %dma_start3A_58 = arith.constant 0 : i32
      %dma_start3A_59 = arith.constant 0 : i32
      %dma_start3A_60 = tpu.memref_slice %arg2[%dma_start3A_58, %dma_start3A_59] : memref<10000x128xf32, #tpu.memory_space<hbm>> -> memref<10000x128xf32, #tpu.memory_space<hbm>>
      tpu.enqueue_indirect_dma source(%dma_start3A_60 : memref<10000x128xf32, #tpu.memory_space<hbm>>) target(%arg10 : memref<125x128xf32, #tpu.memory_space<vmem>>) offsets(%dma_start3A_57 : memref<125xi32, #tpu.memory_space<vmem>>) semaphore(%arg13 : memref<!tpu.dma_semaphore, #tpu.memory_space<semaphore_mem>>)
      "tpu.region"() ({
        %run_scoped3A = tpu.sem_alloc : memref<!tpu.dma_semaphore, #tpu.memory_space<semaphore_mem>>
        %dma_start3A_87 = arith.constant 0 : i32
        %dma_start3A_88 = tpu.memref_slice %arg8[%add3A_51, %dma_start3A_87] : memref<40x125xi32, #tpu.memory_space<vmem>> -> memref<1x125xi32, #tpu.memory_space<vmem>>
        %dma_start3A_89 = tpu.memref_squeeze %dma_start3A_88 : memref<1x125xi32, #tpu.memory_space<vmem>> -> memref<125xi32, #tpu.memory_space<vmem>>
        %dma_start3A_90 = arith.constant 0 : i32
        %dma_start3A_91 = arith.constant 0 : i32
        %dma_start3A_92 = tpu.memref_slice %arg11[%dma_start3A_90, %dma_start3A_91] : memref<10000x128xf32, #tpu.memory_space<vmem_shared>> -> memref<10000x128xf32, #tpu.memory_space<vmem_shared>>
        tpu.enqueue_indirect_dma source(%arg9 : memref<125x128xf32, #tpu.memory_space<vmem>>) target(%dma_start3A_92 : memref<10000x128xf32, #tpu.memory_space<vmem_shared>>) offsets(%dma_start3A_89 : memref<125xi32, #tpu.memory_space<vmem>>) semaphore(%run_scoped3A : memref<!tpu.dma_semaphore, #tpu.memory_space<semaphore_mem>>) {add = true}
        %dma_wait3A_93 = arith.constant 0 : i32
        %dma_wait3A_94 = tpu.memref_slice %arg8[%add3A_51, %dma_wait3A_93] : memref<40x125xi32, #tpu.memory_space<vmem>> -> memref<1x125xi32, #tpu.memory_space<vmem>>
        %dma_wait3A_95 = tpu.memref_squeeze %dma_wait3A_94 : memref<1x125xi32, #tpu.memory_space<vmem>> -> memref<125xi32, #tpu.memory_space<vmem>>
        %dma_wait3A_96 = arith.constant 0 : i32
        %dma_wait3A_97 = arith.constant 0 : i32
        %dma_wait3A_98 = tpu.memref_slice %arg11[%dma_wait3A_96, %dma_wait3A_97] : memref<10000x128xf32, #tpu.memory_space<vmem_shared>> -> memref<10000x128xf32, #tpu.memory_space<vmem_shared>>
        tpu.wait_indirect_dma semaphore(%run_scoped3A : memref<!tpu.dma_semaphore, #tpu.memory_space<semaphore_mem>>) src(%arg9 : memref<125x128xf32, #tpu.memory_space<vmem>>) dst(%dma_wait3A_98 : memref<10000x128xf32, #tpu.memory_space<vmem_shared>>)
        tpu.yield
      }) : () -> ()
      %dma_wait3A_61 = arith.constant 0 : i32
      %dma_wait3A_62 = tpu.memref_slice %arg7[%min3A_54, %dma_wait3A_61] : memref<40x125xi32, #tpu.memory_space<vmem>> -> memref<1x125xi32, #tpu.memory_space<vmem>>
      %dma_wait3A_63 = tpu.memref_squeeze %dma_wait3A_62 : memref<1x125xi32, #tpu.memory_space<vmem>> -> memref<125xi32, #tpu.memory_space<vmem>>
      %dma_wait3A_64 = arith.constant 0 : i32
      %dma_wait3A_65 = arith.constant 0 : i32
      %dma_wait3A_66 = tpu.memref_slice %arg2[%dma_wait3A_64, %dma_wait3A_65] : memref<10000x128xf32, #tpu.memory_space<hbm>> -> memref<10000x128xf32, #tpu.memory_space<hbm>>
      tpu.wait_indirect_dma semaphore(%arg13 : memref<!tpu.dma_semaphore, #tpu.memory_space<semaphore_mem>>) src(%dma_wait3A_66 : memref<10000x128xf32, #tpu.memory_space<hbm>>) dst(%arg10 : memref<125x128xf32, #tpu.memory_space<vmem>>)
      %mul3A_67 = arith.constant 2 : i32
      %mul3A_68 = arith.muli %scan3A_47, %mul3A_67 : i32
      %add3A_69 = arith.constant 1 : i32
      %add3A_70 = arith.addi %mul3A_68, %add3A_69 : i32
      %add3A_71 = arith.constant 1 : i32
      %add3A_72 = arith.addi %add3A_70, %add3A_71 : i32
      %min3A_73 = arith.constant 39 : i32
      %min3A_74 = arith.minsi %add3A_72, %min3A_73 : i32
      %dma_start3A_75 = arith.constant 0 : i32
      %dma_start3A_76 = tpu.memref_slice %arg7[%min3A_74, %dma_start3A_75] : memref<40x125xi32, #tpu.memory_space<vmem>> -> memref<1x125xi32, #tpu.memory_space<vmem>>
      %dma_start3A_77 = tpu.memref_squeeze %dma_start3A_76 : memref<1x125xi32, #tpu.memory_space<vmem>> -> memref<125xi32, #tpu.memory_space<vmem>>
      %dma_start3A_78 = arith.constant 0 : i32
      %dma_start3A_79 = arith.constant 0 : i32
      %dma_start3A_80 = tpu.memref_slice %arg2[%dma_start3A_78, %dma_start3A_79] : memref<10000x128xf32, #tpu.memory_space<hbm>> -> memref<10000x128xf32, #tpu.memory_space<hbm>>
      tpu.enqueue_indirect_dma source(%dma_start3A_80 : memref<10000x128xf32, #tpu.memory_space<hbm>>) target(%arg9 : memref<125x128xf32, #tpu.memory_space<vmem>>) offsets(%dma_start3A_77 : memref<125xi32, #tpu.memory_space<vmem>>) semaphore(%arg12 : memref<!tpu.dma_semaphore, #tpu.memory_space<semaphore_mem>>)
      "tpu.region"() ({
        %run_scoped3A = tpu.sem_alloc : memref<!tpu.dma_semaphore, #tpu.memory_space<semaphore_mem>>
        %dma_start3A_87 = arith.constant 0 : i32
        %dma_start3A_88 = tpu.memref_slice %arg8[%add3A_70, %dma_start3A_87] : memref<40x125xi32, #tpu.memory_space<vmem>> -> memref<1x125xi32, #tpu.memory_space<vmem>>
        %dma_start3A_89 = tpu.memref_squeeze %dma_start3A_88 : memref<1x125xi32, #tpu.memory_space<vmem>> -> memref<125xi32, #tpu.memory_space<vmem>>
        %dma_start3A_90 = arith.constant 0 : i32
        %dma_start3A_91 = arith.constant 0 : i32
        %dma_start3A_92 = tpu.memref_slice %arg11[%dma_start3A_90, %dma_start3A_91] : memref<10000x128xf32, #tpu.memory_space<vmem_shared>> -> memref<10000x128xf32, #tpu.memory_space<vmem_shared>>
        tpu.enqueue_indirect_dma source(%arg10 : memref<125x128xf32, #tpu.memory_space<vmem>>) target(%dma_start3A_92 : memref<10000x128xf32, #tpu.memory_space<vmem_shared>>) offsets(%dma_start3A_89 : memref<125xi32, #tpu.memory_space<vmem>>) semaphore(%run_scoped3A : memref<!tpu.dma_semaphore, #tpu.memory_space<semaphore_mem>>) {add = true}
        %dma_wait3A_93 = arith.constant 0 : i32
        %dma_wait3A_94 = tpu.memref_slice %arg8[%add3A_70, %dma_wait3A_93] : memref<40x125xi32, #tpu.memory_space<vmem>> -> memref<1x125xi32, #tpu.memory_space<vmem>>
        %dma_wait3A_95 = tpu.memref_squeeze %dma_wait3A_94 : memref<1x125xi32, #tpu.memory_space<vmem>> -> memref<125xi32, #tpu.memory_space<vmem>>
        %dma_wait3A_96 = arith.constant 0 : i32
        %dma_wait3A_97 = arith.constant 0 : i32
        %dma_wait3A_98 = tpu.memref_slice %arg11[%dma_wait3A_96, %dma_wait3A_97] : memref<10000x128xf32, #tpu.memory_space<vmem_shared>> -> memref<10000x128xf32, #tpu.memory_space<vmem_shared>>
        tpu.wait_indirect_dma semaphore(%run_scoped3A : memref<!tpu.dma_semaphore, #tpu.memory_space<semaphore_mem>>) src(%arg10 : memref<125x128xf32, #tpu.memory_space<vmem>>) dst(%dma_wait3A_98 : memref<10000x128xf32, #tpu.memory_space<vmem_shared>>)
        tpu.yield
      }) : () -> ()
      %dma_wait3A_81 = arith.constant 0 : i32
      %dma_wait3A_82 = tpu.memref_slice %arg7[%min3A_74, %dma_wait3A_81] : memref<40x125xi32, #tpu.memory_space<vmem>> -> memref<1x125xi32, #tpu.memory_space<vmem>>
      %dma_wait3A_83 = tpu.memref_squeeze %dma_wait3A_82 : memref<1x125xi32, #tpu.memory_space<vmem>> -> memref<125xi32, #tpu.memory_space<vmem>>
      %dma_wait3A_84 = arith.constant 0 : i32
      %dma_wait3A_85 = arith.constant 0 : i32
      %dma_wait3A_86 = tpu.memref_slice %arg2[%dma_wait3A_84, %dma_wait3A_85] : memref<10000x128xf32, #tpu.memory_space<hbm>> -> memref<10000x128xf32, #tpu.memory_space<hbm>>
      tpu.wait_indirect_dma semaphore(%arg12 : memref<!tpu.dma_semaphore, #tpu.memory_space<semaphore_mem>>) src(%dma_wait3A_86 : memref<10000x128xf32, #tpu.memory_space<hbm>>) dst(%arg9 : memref<125x128xf32, #tpu.memory_space<vmem>>)
    }
    %scan3A_23 = arith.constant 20 : i32
    "tpu.region"() ({
      %run_scoped3A = tpu.sem_alloc : memref<!tpu.dma_semaphore, #tpu.memory_space<semaphore_mem>>
      %dma_start3A_47 = arith.constant 40 : i32
      %dma_start3A_48 = arith.constant 0 : i32
      %dma_start3A_49 = tpu.memref_slice %arg3[%add3A, %dma_start3A_47, %dma_start3A_48] : memref<32x80x125xi32, #tpu.memory_space<hbm>> -> memref<1x40x125xi32, #tpu.memory_space<hbm>>
      %dma_start3A_50 = tpu.memref_squeeze %dma_start3A_49 : memref<1x40x125xi32, #tpu.memory_space<hbm>> -> memref<40x125xi32, #tpu.memory_space<hbm>>
      %dma_start3A_51 = arith.constant 40 : i32
      %dma_start3A_52 = arith.constant 0 : i32
      %dma_start3A_53 = tpu.memref_slice %arg3[%add3A, %dma_start3A_51, %dma_start3A_52] : memref<32x80x125xi32, #tpu.memory_space<hbm>> -> memref<1x40x125xi32, #tpu.memory_space<hbm>>
      %dma_start3A_54 = tpu.memref_squeeze %dma_start3A_53 : memref<1x40x125xi32, #tpu.memory_space<hbm>> -> memref<40x125xi32, #tpu.memory_space<hbm>>
      tpu.enqueue_dma source(%dma_start3A_54 : memref<40x125xi32, #tpu.memory_space<hbm>>) target(%arg7 : memref<40x125xi32, #tpu.memory_space<vmem>>) target_semaphore(%run_scoped3A : memref<!tpu.dma_semaphore, #tpu.memory_space<semaphore_mem>>)
      %dma_wait3A_55 = arith.constant 40 : i32
      %dma_wait3A_56 = arith.constant 0 : i32
      %dma_wait3A_57 = tpu.memref_slice %arg3[%add3A, %dma_wait3A_55, %dma_wait3A_56] : memref<32x80x125xi32, #tpu.memory_space<hbm>> -> memref<1x40x125xi32, #tpu.memory_space<hbm>>
      %dma_wait3A_58 = tpu.memref_squeeze %dma_wait3A_57 : memref<1x40x125xi32, #tpu.memory_space<hbm>> -> memref<40x125xi32, #tpu.memory_space<hbm>>
      %dma_wait3A_59 = arith.constant 40 : i32
      %dma_wait3A_60 = arith.constant 0 : i32
      %dma_wait3A_61 = tpu.memref_slice %arg3[%add3A, %dma_wait3A_59, %dma_wait3A_60] : memref<32x80x125xi32, #tpu.memory_space<hbm>> -> memref<1x40x125xi32, #tpu.memory_space<hbm>>
      %dma_wait3A_62 = tpu.memref_squeeze %dma_wait3A_61 : memref<1x40x125xi32, #tpu.memory_space<hbm>> -> memref<40x125xi32, #tpu.memory_space<hbm>>
      tpu.wait_dma2 semaphore(%run_scoped3A : memref<!tpu.dma_semaphore, #tpu.memory_space<semaphore_mem>>) src(%dma_wait3A_62 : memref<40x125xi32, #tpu.memory_space<hbm>>) dst(%arg7 : memref<40x125xi32, #tpu.memory_space<vmem>>)
      tpu.yield
    }) : () -> ()
    "tpu.region"() ({
      %run_scoped3A = tpu.sem_alloc : memref<!tpu.dma_semaphore, #tpu.memory_space<semaphore_mem>>
      %dma_start3A_47 = arith.constant 40 : i32
      %dma_start3A_48 = arith.constant 0 : i32
      %dma_start3A_49 = tpu.memref_slice %arg4[%add3A, %dma_start3A_47, %dma_start3A_48] : memref<32x80x125xi32, #tpu.memory_space<hbm>> -> memref<1x40x125xi32, #tpu.memory_space<hbm>>
      %dma_start3A_50 = tpu.memref_squeeze %dma_start3A_49 : memref<1x40x125xi32, #tpu.memory_space<hbm>> -> memref<40x125xi32, #tpu.memory_space<hbm>>
      %dma_start3A_51 = arith.constant 40 : i32
      %dma_start3A_52 = arith.constant 0 : i32
      %dma_start3A_53 = tpu.memref_slice %arg4[%add3A, %dma_start3A_51, %dma_start3A_52] : memref<32x80x125xi32, #tpu.memory_space<hbm>> -> memref<1x40x125xi32, #tpu.memory_space<hbm>>
      %dma_start3A_54 = tpu.memref_squeeze %dma_start3A_53 : memref<1x40x125xi32, #tpu.memory_space<hbm>> -> memref<40x125xi32, #tpu.memory_space<hbm>>
      tpu.enqueue_dma source(%dma_start3A_54 : memref<40x125xi32, #tpu.memory_space<hbm>>) target(%arg8 : memref<40x125xi32, #tpu.memory_space<vmem>>) target_semaphore(%run_scoped3A : memref<!tpu.dma_semaphore, #tpu.memory_space<semaphore_mem>>)
      %dma_wait3A_55 = arith.constant 40 : i32
      %dma_wait3A_56 = arith.constant 0 : i32
      %dma_wait3A_57 = tpu.memref_slice %arg4[%add3A, %dma_wait3A_55, %dma_wait3A_56] : memref<32x80x125xi32, #tpu.memory_space<hbm>> -> memref<1x40x125xi32, #tpu.memory_space<hbm>>
      %dma_wait3A_58 = tpu.memref_squeeze %dma_wait3A_57 : memref<1x40x125xi32, #tpu.memory_space<hbm>> -> memref<40x125xi32, #tpu.memory_space<hbm>>
      %dma_wait3A_59 = arith.constant 40 : i32
      %dma_wait3A_60 = arith.constant 0 : i32
      %dma_wait3A_61 = tpu.memref_slice %arg4[%add3A, %dma_wait3A_59, %dma_wait3A_60] : memref<32x80x125xi32, #tpu.memory_space<hbm>> -> memref<1x40x125xi32, #tpu.memory_space<hbm>>
      %dma_wait3A_62 = tpu.memref_squeeze %dma_wait3A_61 : memref<1x40x125xi32, #tpu.memory_space<hbm>> -> memref<40x125xi32, #tpu.memory_space<hbm>>
      tpu.wait_dma2 semaphore(%run_scoped3A : memref<!tpu.dma_semaphore, #tpu.memory_space<semaphore_mem>>) src(%dma_wait3A_62 : memref<40x125xi32, #tpu.memory_space<hbm>>) dst(%arg8 : memref<40x125xi32, #tpu.memory_space<vmem>>)
      tpu.yield
    }) : () -> ()
    %dma_start3A_24 = arith.constant 0 : i32
    %dma_start3A_25 = arith.constant 0 : i32
    %dma_start3A_26 = tpu.memref_slice %arg7[%dma_start3A_24, %dma_start3A_25] : memref<40x125xi32, #tpu.memory_space<vmem>> -> memref<1x125xi32, #tpu.memory_space<vmem>>
    %dma_start3A_27 = tpu.memref_squeeze %dma_start3A_26 : memref<1x125xi32, #tpu.memory_space<vmem>> -> memref<125xi32, #tpu.memory_space<vmem>>
    %dma_start3A_28 = arith.constant 0 : i32
    %dma_start3A_29 = arith.constant 0 : i32
    %dma_start3A_30 = tpu.memref_slice %arg2[%dma_start3A_28, %dma_start3A_29] : memref<10000x128xf32, #tpu.memory_space<hbm>> -> memref<10000x128xf32, #tpu.memory_space<hbm>>
    tpu.enqueue_indirect_dma source(%dma_start3A_30 : memref<10000x128xf32, #tpu.memory_space<hbm>>) target(%arg9 : memref<125x128xf32, #tpu.memory_space<vmem>>) offsets(%dma_start3A_27 : memref<125xi32, #tpu.memory_space<vmem>>) semaphore(%arg12 : memref<!tpu.dma_semaphore, #tpu.memory_space<semaphore_mem>>)
    %dma_wait3A_31 = arith.constant 0 : i32
    %dma_wait3A_32 = arith.constant 0 : i32
    %dma_wait3A_33 = tpu.memref_slice %arg7[%dma_wait3A_31, %dma_wait3A_32] : memref<40x125xi32, #tpu.memory_space<vmem>> -> memref<1x125xi32, #tpu.memory_space<vmem>>
    %dma_wait3A_34 = tpu.memref_squeeze %dma_wait3A_33 : memref<1x125xi32, #tpu.memory_space<vmem>> -> memref<125xi32, #tpu.memory_space<vmem>>
    %dma_wait3A_35 = arith.constant 0 : i32
    %dma_wait3A_36 = arith.constant 0 : i32
    %dma_wait3A_37 = tpu.memref_slice %arg2[%dma_wait3A_35, %dma_wait3A_36] : memref<10000x128xf32, #tpu.memory_space<hbm>> -> memref<10000x128xf32, #tpu.memory_space<hbm>>
    tpu.wait_indirect_dma semaphore(%arg12 : memref<!tpu.dma_semaphore, #tpu.memory_space<semaphore_mem>>) src(%dma_wait3A_37 : memref<10000x128xf32, #tpu.memory_space<hbm>>) dst(%arg9 : memref<125x128xf32, #tpu.memory_space<vmem>>)
    %scan3A_38 = arith.constant 0 : i32
    %scan3A_39 = arith.constant 0 : i32
    %scan3A_40 = arith.constant 20 : i32
    %scan3A_41 = arith.addi %scan3A_39, %scan3A_40 : i32
    %scan3A_42 = arith.constant 1 : i32
    scf.for %scan3A_47 = %scan3A_39 to %scan3A_41 step %scan3A_42  : i32 {
      %mul3A_48 = arith.constant 2 : i32
      %mul3A_49 = arith.muli %scan3A_47, %mul3A_48 : i32
      %add3A_50 = arith.constant 0 : i32
      %add3A_51 = arith.addi %mul3A_49, %add3A_50 : i32
      %add3A_52 = arith.constant 1 : i32
      %add3A_53 = arith.addi %add3A_51, %add3A_52 : i32
      %min3A = arith.constant 39 : i32
      %min3A_54 = arith.minsi %add3A_53, %min3A : i32
      %dma_start3A_55 = arith.constant 0 : i32
      %dma_start3A_56 = tpu.memref_slice %arg7[%min3A_54, %dma_start3A_55] : memref<40x125xi32, #tpu.memory_space<vmem>> -> memref<1x125xi32, #tpu.memory_space<vmem>>
      %dma_start3A_57 = tpu.memref_squeeze %dma_start3A_56 : memref<1x125xi32, #tpu.memory_space<vmem>> -> memref<125xi32, #tpu.memory_space<vmem>>
      %dma_start3A_58 = arith.constant 0 : i32
      %dma_start3A_59 = arith.constant 0 : i32
      %dma_start3A_60 = tpu.memref_slice %arg2[%dma_start3A_58, %dma_start3A_59] : memref<10000x128xf32, #tpu.memory_space<hbm>> -> memref<10000x128xf32, #tpu.memory_space<hbm>>
      tpu.enqueue_indirect_dma source(%dma_start3A_60 : memref<10000x128xf32, #tpu.memory_space<hbm>>) target(%arg10 : memref<125x128xf32, #tpu.memory_space<vmem>>) offsets(%dma_start3A_57 : memref<125xi32, #tpu.memory_space<vmem>>) semaphore(%arg13 : memref<!tpu.dma_semaphore, #tpu.memory_space<semaphore_mem>>)
      "tpu.region"() ({
        %run_scoped3A = tpu.sem_alloc : memref<!tpu.dma_semaphore, #tpu.memory_space<semaphore_mem>>
        %dma_start3A_87 = arith.constant 0 : i32
        %dma_start3A_88 = tpu.memref_slice %arg8[%add3A_51, %dma_start3A_87] : memref<40x125xi32, #tpu.memory_space<vmem>> -> memref<1x125xi32, #tpu.memory_space<vmem>>
        %dma_start3A_89 = tpu.memref_squeeze %dma_start3A_88 : memref<1x125xi32, #tpu.memory_space<vmem>> -> memref<125xi32, #tpu.memory_space<vmem>>
        %dma_start3A_90 = arith.constant 0 : i32
        %dma_start3A_91 = arith.constant 0 : i32
        %dma_start3A_92 = tpu.memref_slice %arg11[%dma_start3A_90, %dma_start3A_91] : memref<10000x128xf32, #tpu.memory_space<vmem_shared>> -> memref<10000x128xf32, #tpu.memory_space<vmem_shared>>
        tpu.enqueue_indirect_dma source(%arg9 : memref<125x128xf32, #tpu.memory_space<vmem>>) target(%dma_start3A_92 : memref<10000x128xf32, #tpu.memory_space<vmem_shared>>) offsets(%dma_start3A_89 : memref<125xi32, #tpu.memory_space<vmem>>) semaphore(%run_scoped3A : memref<!tpu.dma_semaphore, #tpu.memory_space<semaphore_mem>>) {add = true}
        %dma_wait3A_93 = arith.constant 0 : i32
        %dma_wait3A_94 = tpu.memref_slice %arg8[%add3A_51, %dma_wait3A_93] : memref<40x125xi32, #tpu.memory_space<vmem>> -> memref<1x125xi32, #tpu.memory_space<vmem>>
        %dma_wait3A_95 = tpu.memref_squeeze %dma_wait3A_94 : memref<1x125xi32, #tpu.memory_space<vmem>> -> memref<125xi32, #tpu.memory_space<vmem>>
        %dma_wait3A_96 = arith.constant 0 : i32
        %dma_wait3A_97 = arith.constant 0 : i32
        %dma_wait3A_98 = tpu.memref_slice %arg11[%dma_wait3A_96, %dma_wait3A_97] : memref<10000x128xf32, #tpu.memory_space<vmem_shared>> -> memref<10000x128xf32, #tpu.memory_space<vmem_shared>>
        tpu.wait_indirect_dma semaphore(%run_scoped3A : memref<!tpu.dma_semaphore, #tpu.memory_space<semaphore_mem>>) src(%arg9 : memref<125x128xf32, #tpu.memory_space<vmem>>) dst(%dma_wait3A_98 : memref<10000x128xf32, #tpu.memory_space<vmem_shared>>)
        tpu.yield
      }) : () -> ()
      %dma_wait3A_61 = arith.constant 0 : i32
      %dma_wait3A_62 = tpu.memref_slice %arg7[%min3A_54, %dma_wait3A_61] : memref<40x125xi32, #tpu.memory_space<vmem>> -> memref<1x125xi32, #tpu.memory_space<vmem>>
      %dma_wait3A_63 = tpu.memref_squeeze %dma_wait3A_62 : memref<1x125xi32, #tpu.memory_space<vmem>> -> memref<125xi32, #tpu.memory_space<vmem>>
      %dma_wait3A_64 = arith.constant 0 : i32
      %dma_wait3A_65 = arith.constant 0 : i32
      %dma_wait3A_66 = tpu.memref_slice %arg2[%dma_wait3A_64, %dma_wait3A_65] : memref<10000x128xf32, #tpu.memory_space<hbm>> -> memref<10000x128xf32, #tpu.memory_space<hbm>>
      tpu.wait_indirect_dma semaphore(%arg13 : memref<!tpu.dma_semaphore, #tpu.memory_space<semaphore_mem>>) src(%dma_wait3A_66 : memref<10000x128xf32, #tpu.memory_space<hbm>>) dst(%arg10 : memref<125x128xf32, #tpu.memory_space<vmem>>)
      %mul3A_67 = arith.constant 2 : i32
      %mul3A_68 = arith.muli %scan3A_47, %mul3A_67 : i32
      %add3A_69 = arith.constant 1 : i32
      %add3A_70 = arith.addi %mul3A_68, %add3A_69 : i32
      %add3A_71 = arith.constant 1 : i32
      %add3A_72 = arith.addi %add3A_70, %add3A_71 : i32
      %min3A_73 = arith.constant 39 : i32
      %min3A_74 = arith.minsi %add3A_72, %min3A_73 : i32
      %dma_start3A_75 = arith.constant 0 : i32
      %dma_start3A_76 = tpu.memref_slice %arg7[%min3A_74, %dma_start3A_75] : memref<40x125xi32, #tpu.memory_space<vmem>> -> memref<1x125xi32, #tpu.memory_space<vmem>>
      %dma_start3A_77 = tpu.memref_squeeze %dma_start3A_76 : memref<1x125xi32, #tpu.memory_space<vmem>> -> memref<125xi32, #tpu.memory_space<vmem>>
      %dma_start3A_78 = arith.constant 0 : i32
      %dma_start3A_79 = arith.constant 0 : i32
      %dma_start3A_80 = tpu.memref_slice %arg2[%dma_start3A_78, %dma_start3A_79] : memref<10000x128xf32, #tpu.memory_space<hbm>> -> memref<10000x128xf32, #tpu.memory_space<hbm>>
      tpu.enqueue_indirect_dma source(%dma_start3A_80 : memref<10000x128xf32, #tpu.memory_space<hbm>>) target(%arg9 : memref<125x128xf32, #tpu.memory_space<vmem>>) offsets(%dma_start3A_77 : memref<125xi32, #tpu.memory_space<vmem>>) semaphore(%arg12 : memref<!tpu.dma_semaphore, #tpu.memory_space<semaphore_mem>>)
      "tpu.region"() ({
        %run_scoped3A = tpu.sem_alloc : memref<!tpu.dma_semaphore, #tpu.memory_space<semaphore_mem>>
        %dma_start3A_87 = arith.constant 0 : i32
        %dma_start3A_88 = tpu.memref_slice %arg8[%add3A_70, %dma_start3A_87] : memref<40x125xi32, #tpu.memory_space<vmem>> -> memref<1x125xi32, #tpu.memory_space<vmem>>
        %dma_start3A_89 = tpu.memref_squeeze %dma_start3A_88 : memref<1x125xi32, #tpu.memory_space<vmem>> -> memref<125xi32, #tpu.memory_space<vmem>>
        %dma_start3A_90 = arith.constant 0 : i32
        %dma_start3A_91 = arith.constant 0 : i32
        %dma_start3A_92 = tpu.memref_slice %arg11[%dma_start3A_90, %dma_start3A_91] : memref<10000x128xf32, #tpu.memory_space<vmem_shared>> -> memref<10000x128xf32, #tpu.memory_space<vmem_shared>>
        tpu.enqueue_indirect_dma source(%arg10 : memref<125x128xf32, #tpu.memory_space<vmem>>) target(%dma_start3A_92 : memref<10000x128xf32, #tpu.memory_space<vmem_shared>>) offsets(%dma_start3A_89 : memref<125xi32, #tpu.memory_space<vmem>>) semaphore(%run_scoped3A : memref<!tpu.dma_semaphore, #tpu.memory_space<semaphore_mem>>) {add = true}
        %dma_wait3A_93 = arith.constant 0 : i32
        %dma_wait3A_94 = tpu.memref_slice %arg8[%add3A_70, %dma_wait3A_93] : memref<40x125xi32, #tpu.memory_space<vmem>> -> memref<1x125xi32, #tpu.memory_space<vmem>>
        %dma_wait3A_95 = tpu.memref_squeeze %dma_wait3A_94 : memref<1x125xi32, #tpu.memory_space<vmem>> -> memref<125xi32, #tpu.memory_space<vmem>>
        %dma_wait3A_96 = arith.constant 0 : i32
        %dma_wait3A_97 = arith.constant 0 : i32
        %dma_wait3A_98 = tpu.memref_slice %arg11[%dma_wait3A_96, %dma_wait3A_97] : memref<10000x128xf32, #tpu.memory_space<vmem_shared>> -> memref<10000x128xf32, #tpu.memory_space<vmem_shared>>
        tpu.wait_indirect_dma semaphore(%run_scoped3A : memref<!tpu.dma_semaphore, #tpu.memory_space<semaphore_mem>>) src(%arg10 : memref<125x128xf32, #tpu.memory_space<vmem>>) dst(%dma_wait3A_98 : memref<10000x128xf32, #tpu.memory_space<vmem_shared>>)
        tpu.yield
      }) : () -> ()
      %dma_wait3A_81 = arith.constant 0 : i32
      %dma_wait3A_82 = tpu.memref_slice %arg7[%min3A_74, %dma_wait3A_81] : memref<40x125xi32, #tpu.memory_space<vmem>> -> memref<1x125xi32, #tpu.memory_space<vmem>>
      %dma_wait3A_83 = tpu.memref_squeeze %dma_wait3A_82 : memref<1x125xi32, #tpu.memory_space<vmem>> -> memref<125xi32, #tpu.memory_space<vmem>>
      %dma_wait3A_84 = arith.constant 0 : i32
      %dma_wait3A_85 = arith.constant 0 : i32
      %dma_wait3A_86 = tpu.memref_slice %arg2[%dma_wait3A_84, %dma_wait3A_85] : memref<10000x128xf32, #tpu.memory_space<hbm>> -> memref<10000x128xf32, #tpu.memory_space<hbm>>
      tpu.wait_indirect_dma semaphore(%arg12 : memref<!tpu.dma_semaphore, #tpu.memory_space<semaphore_mem>>) src(%dma_wait3A_86 : memref<10000x128xf32, #tpu.memory_space<hbm>>) dst(%arg9 : memref<125x128xf32, #tpu.memory_space<vmem>>)
    }
    %scan3A_43 = arith.constant 20 : i32
    %barrier3A_44 = arith.constant 0 : index
    tpu.barrier barrier_id(%barrier3A_44)
    %mul3A_45 = arith.constant 625 : i32
    %mul3A_46 = arith.muli %arg1, %mul3A_45 : i32
    "tpu.region"() ({
      %run_scoped3A = tpu.sem_alloc : memref<!tpu.dma_semaphore, #tpu.memory_space<semaphore_mem>>
      %dma_start3A_47 = arith.constant 0 : i32
      %dma_start3A_48 = arith.constant 0 : i32
      %dma_start3A_49 = tpu.memref_slice %arg6[%arg0, %arg1, %dma_start3A_47, %dma_start3A_48] : memref<2x16x625x128xf32, #tpu.memory_space<hbm>> -> memref<1x1x625x128xf32, #tpu.memory_space<hbm>>
      %dma_start3A_50 = tpu.memref_squeeze %dma_start3A_49 : memref<1x1x625x128xf32, #tpu.memory_space<hbm>> -> memref<625x128xf32, #tpu.memory_space<hbm>>
      %dma_start3A_51 = arith.constant 0 : i32
      %dma_start3A_52 = tpu.memref_slice %arg11[%mul3A_46, %dma_start3A_51] : memref<10000x128xf32, #tpu.memory_space<vmem_shared>> -> memref<625x128xf32, #tpu.memory_space<vmem_shared>>
      tpu.enqueue_dma source(%dma_start3A_52 : memref<625x128xf32, #tpu.memory_space<vmem_shared>>) target(%dma_start3A_50 : memref<625x128xf32, #tpu.memory_space<hbm>>) target_semaphore(%run_scoped3A : memref<!tpu.dma_semaphore, #tpu.memory_space<semaphore_mem>>)
      %dma_wait3A_53 = arith.constant 0 : i32
      %dma_wait3A_54 = arith.constant 0 : i32
      %dma_wait3A_55 = tpu.memref_slice %arg6[%arg0, %arg1, %dma_wait3A_53, %dma_wait3A_54] : memref<2x16x625x128xf32, #tpu.memory_space<hbm>> -> memref<1x1x625x128xf32, #tpu.memory_space<hbm>>
      %dma_wait3A_56 = tpu.memref_squeeze %dma_wait3A_55 : memref<1x1x625x128xf32, #tpu.memory_space<hbm>> -> memref<625x128xf32, #tpu.memory_space<hbm>>
      %dma_wait3A_57 = arith.constant 0 : i32
      %dma_wait3A_58 = tpu.memref_slice %arg11[%mul3A_46, %dma_wait3A_57] : memref<10000x128xf32, #tpu.memory_space<vmem_shared>> -> memref<625x128xf32, #tpu.memory_space<vmem_shared>>
      tpu.wait_dma2 semaphore(%run_scoped3A : memref<!tpu.dma_semaphore, #tpu.memory_space<semaphore_mem>>) src(%dma_wait3A_58 : memref<625x128xf32, #tpu.memory_space<vmem_shared>>) dst(%dma_wait3A_56 : memref<625x128xf32, #tpu.memory_space<hbm>>)
      tpu.yield
    }) : () -> ()
    return
  }
}

#map = affine_map<(d0, d1) -> (0, 0, 0)>
#map1 = affine_map<(d0, d1) -> (0, 0)>
#map2 = affine_map<(d0, d1) -> (0, 0, 0, 0)>
module attributes {stable_mosaic.version = 14 : i64} {
  func.func @_deg_body(%arg0: i32, %arg1: i32, %arg2: memref<32x80x125xi32, #tpu.memory_space<hbm>>, %arg3: memref<125x8xf32, #tpu.memory_space<hbm>>, %arg4: memref<625x8xf32, #tpu.memory_space<hbm>>, %arg5: memref<2x16x625x8xf32, #tpu.memory_space<hbm>>, %arg6: memref<80x125xi32, #tpu.memory_space<vmem>>, %arg7: memref<125x8xf32, #tpu.memory_space<vmem>>, %arg8: memref<10000x8xf32, #tpu.memory_space<vmem_shared>>, %arg9: memref<!tpu.dma_semaphore, #tpu.memory_space<semaphore_mem>>) attributes {dimension_semantics = [#tpu.dimension_semantics<core_parallel>, #tpu.dimension_semantics<subcore_parallel>], iteration_bounds = array<i64: 2, 16>, scalar_prefetch = 0 : i64, scratch_operands = 4 : i64, tpu.core_type = #tpu.core_type<sc_vector_subcore>, window_params = [{transform_indices = #map}, {transform_indices = #map1}, {transform_indices = #map1}, {transform_indices = #map2}]} {
    %mul3A = arith.constant 16 : i32
    %mul3A_0 = arith.muli %arg0, %mul3A : i32
    %add3A = arith.addi %mul3A_0, %arg1 : i32
    "tpu.region"() ({
      %run_scoped3A = tpu.sem_alloc : memref<!tpu.dma_semaphore, #tpu.memory_space<semaphore_mem>>
      %dma_start3A = arith.constant 0 : i32
      %dma_start3A_11 = arith.constant 0 : i32
      %dma_start3A_12 = tpu.memref_slice %arg2[%add3A, %dma_start3A, %dma_start3A_11] : memref<32x80x125xi32, #tpu.memory_space<hbm>> -> memref<1x80x125xi32, #tpu.memory_space<hbm>>
      %dma_start3A_13 = tpu.memref_squeeze %dma_start3A_12 : memref<1x80x125xi32, #tpu.memory_space<hbm>> -> memref<80x125xi32, #tpu.memory_space<hbm>>
      %dma_start3A_14 = arith.constant 0 : i32
      %dma_start3A_15 = arith.constant 0 : i32
      %dma_start3A_16 = tpu.memref_slice %arg2[%add3A, %dma_start3A_14, %dma_start3A_15] : memref<32x80x125xi32, #tpu.memory_space<hbm>> -> memref<1x80x125xi32, #tpu.memory_space<hbm>>
      %dma_start3A_17 = tpu.memref_squeeze %dma_start3A_16 : memref<1x80x125xi32, #tpu.memory_space<hbm>> -> memref<80x125xi32, #tpu.memory_space<hbm>>
      tpu.enqueue_dma source(%dma_start3A_17 : memref<80x125xi32, #tpu.memory_space<hbm>>) target(%arg6 : memref<80x125xi32, #tpu.memory_space<vmem>>) target_semaphore(%run_scoped3A : memref<!tpu.dma_semaphore, #tpu.memory_space<semaphore_mem>>)
      %dma_wait3A = arith.constant 0 : i32
      %dma_wait3A_18 = arith.constant 0 : i32
      %dma_wait3A_19 = tpu.memref_slice %arg2[%add3A, %dma_wait3A, %dma_wait3A_18] : memref<32x80x125xi32, #tpu.memory_space<hbm>> -> memref<1x80x125xi32, #tpu.memory_space<hbm>>
      %dma_wait3A_20 = tpu.memref_squeeze %dma_wait3A_19 : memref<1x80x125xi32, #tpu.memory_space<hbm>> -> memref<80x125xi32, #tpu.memory_space<hbm>>
      %dma_wait3A_21 = arith.constant 0 : i32
      %dma_wait3A_22 = arith.constant 0 : i32
      %dma_wait3A_23 = tpu.memref_slice %arg2[%add3A, %dma_wait3A_21, %dma_wait3A_22] : memref<32x80x125xi32, #tpu.memory_space<hbm>> -> memref<1x80x125xi32, #tpu.memory_space<hbm>>
      %dma_wait3A_24 = tpu.memref_squeeze %dma_wait3A_23 : memref<1x80x125xi32, #tpu.memory_space<hbm>> -> memref<80x125xi32, #tpu.memory_space<hbm>>
      tpu.wait_dma2 semaphore(%run_scoped3A : memref<!tpu.dma_semaphore, #tpu.memory_space<semaphore_mem>>) src(%dma_wait3A_24 : memref<80x125xi32, #tpu.memory_space<hbm>>) dst(%arg6 : memref<80x125xi32, #tpu.memory_space<vmem>>)
      tpu.yield
    }) : () -> ()
    "tpu.region"() ({
      %run_scoped3A = tpu.sem_alloc : memref<!tpu.dma_semaphore, #tpu.memory_space<semaphore_mem>>
      tpu.enqueue_dma source(%arg3 : memref<125x8xf32, #tpu.memory_space<hbm>>) target(%arg7 : memref<125x8xf32, #tpu.memory_space<vmem>>) target_semaphore(%run_scoped3A : memref<!tpu.dma_semaphore, #tpu.memory_space<semaphore_mem>>)
      tpu.wait_dma2 semaphore(%run_scoped3A : memref<!tpu.dma_semaphore, #tpu.memory_space<semaphore_mem>>) src(%arg3 : memref<125x8xf32, #tpu.memory_space<hbm>>) dst(%arg7 : memref<125x8xf32, #tpu.memory_space<vmem>>)
      tpu.yield
    }) : () -> ()
    %mul3A_1 = arith.constant 625 : i32
    %mul3A_2 = arith.muli %arg1, %mul3A_1 : i32
    "tpu.region"() ({
      %run_scoped3A = tpu.sem_alloc : memref<!tpu.dma_semaphore, #tpu.memory_space<semaphore_mem>>
      %dma_start3A = arith.constant 0 : i32
      %dma_start3A_11 = tpu.memref_slice %arg8[%mul3A_2, %dma_start3A] : memref<10000x8xf32, #tpu.memory_space<vmem_shared>> -> memref<625x8xf32, #tpu.memory_space<vmem_shared>>
      tpu.enqueue_dma source(%arg4 : memref<625x8xf32, #tpu.memory_space<hbm>>) target(%dma_start3A_11 : memref<625x8xf32, #tpu.memory_space<vmem_shared>>) target_semaphore(%run_scoped3A : memref<!tpu.dma_semaphore, #tpu.memory_space<semaphore_mem>>)
      %dma_wait3A = arith.constant 0 : i32
      %dma_wait3A_12 = tpu.memref_slice %arg8[%mul3A_2, %dma_wait3A] : memref<10000x8xf32, #tpu.memory_space<vmem_shared>> -> memref<625x8xf32, #tpu.memory_space<vmem_shared>>
      tpu.wait_dma2 semaphore(%run_scoped3A : memref<!tpu.dma_semaphore, #tpu.memory_space<semaphore_mem>>) src(%arg4 : memref<625x8xf32, #tpu.memory_space<hbm>>) dst(%dma_wait3A_12 : memref<625x8xf32, #tpu.memory_space<vmem_shared>>)
      tpu.yield
    }) : () -> ()
    %barrier3A = arith.constant 0 : index
    tpu.barrier barrier_id(%barrier3A)
    %scan3A = arith.constant 0 : i32
    %scan3A_3 = arith.constant 0 : i32
    %scan3A_4 = arith.constant 80 : i32
    %scan3A_5 = arith.addi %scan3A_3, %scan3A_4 : i32
    %scan3A_6 = arith.constant 1 : i32
    scf.for %scan3A_11 = %scan3A_3 to %scan3A_5 step %scan3A_6  : i32 {
      "tpu.region"() ({
        %run_scoped3A = tpu.sem_alloc : memref<!tpu.dma_semaphore, #tpu.memory_space<semaphore_mem>>
        %dma_start3A = arith.constant 0 : i32
        %dma_start3A_12 = tpu.memref_slice %arg6[%scan3A_11, %dma_start3A] : memref<80x125xi32, #tpu.memory_space<vmem>> -> memref<1x125xi32, #tpu.memory_space<vmem>>
        %dma_start3A_13 = tpu.memref_squeeze %dma_start3A_12 : memref<1x125xi32, #tpu.memory_space<vmem>> -> memref<125xi32, #tpu.memory_space<vmem>>
        %dma_start3A_14 = arith.constant 0 : i32
        %dma_start3A_15 = arith.constant 0 : i32
        %dma_start3A_16 = tpu.memref_slice %arg8[%dma_start3A_14, %dma_start3A_15] : memref<10000x8xf32, #tpu.memory_space<vmem_shared>> -> memref<10000x8xf32, #tpu.memory_space<vmem_shared>>
        tpu.enqueue_indirect_dma source(%arg7 : memref<125x8xf32, #tpu.memory_space<vmem>>) target(%dma_start3A_16 : memref<10000x8xf32, #tpu.memory_space<vmem_shared>>) offsets(%dma_start3A_13 : memref<125xi32, #tpu.memory_space<vmem>>) semaphore(%run_scoped3A : memref<!tpu.dma_semaphore, #tpu.memory_space<semaphore_mem>>) {add = true}
        %dma_wait3A = arith.constant 0 : i32
        %dma_wait3A_17 = tpu.memref_slice %arg6[%scan3A_11, %dma_wait3A] : memref<80x125xi32, #tpu.memory_space<vmem>> -> memref<1x125xi32, #tpu.memory_space<vmem>>
        %dma_wait3A_18 = tpu.memref_squeeze %dma_wait3A_17 : memref<1x125xi32, #tpu.memory_space<vmem>> -> memref<125xi32, #tpu.memory_space<vmem>>
        %dma_wait3A_19 = arith.constant 0 : i32
        %dma_wait3A_20 = arith.constant 0 : i32
        %dma_wait3A_21 = tpu.memref_slice %arg8[%dma_wait3A_19, %dma_wait3A_20] : memref<10000x8xf32, #tpu.memory_space<vmem_shared>> -> memref<10000x8xf32, #tpu.memory_space<vmem_shared>>
        tpu.wait_indirect_dma semaphore(%run_scoped3A : memref<!tpu.dma_semaphore, #tpu.memory_space<semaphore_mem>>) src(%arg7 : memref<125x8xf32, #tpu.memory_space<vmem>>) dst(%dma_wait3A_21 : memref<10000x8xf32, #tpu.memory_space<vmem_shared>>)
        tpu.yield
      }) : () -> ()
    }
    %scan3A_7 = arith.constant 80 : i32
    %barrier3A_8 = arith.constant 0 : index
    tpu.barrier barrier_id(%barrier3A_8)
    %mul3A_9 = arith.constant 625 : i32
    %mul3A_10 = arith.muli %arg1, %mul3A_9 : i32
    "tpu.region"() ({
      %run_scoped3A = tpu.sem_alloc : memref<!tpu.dma_semaphore, #tpu.memory_space<semaphore_mem>>
      %dma_start3A = arith.constant 0 : i32
      %dma_start3A_11 = arith.constant 0 : i32
      %dma_start3A_12 = tpu.memref_slice %arg5[%arg0, %arg1, %dma_start3A, %dma_start3A_11] : memref<2x16x625x8xf32, #tpu.memory_space<hbm>> -> memref<1x1x625x8xf32, #tpu.memory_space<hbm>>
      %dma_start3A_13 = tpu.memref_squeeze %dma_start3A_12 : memref<1x1x625x8xf32, #tpu.memory_space<hbm>> -> memref<625x8xf32, #tpu.memory_space<hbm>>
      %dma_start3A_14 = arith.constant 0 : i32
      %dma_start3A_15 = tpu.memref_slice %arg8[%mul3A_10, %dma_start3A_14] : memref<10000x8xf32, #tpu.memory_space<vmem_shared>> -> memref<625x8xf32, #tpu.memory_space<vmem_shared>>
      tpu.enqueue_dma source(%dma_start3A_15 : memref<625x8xf32, #tpu.memory_space<vmem_shared>>) target(%dma_start3A_13 : memref<625x8xf32, #tpu.memory_space<hbm>>) target_semaphore(%run_scoped3A : memref<!tpu.dma_semaphore, #tpu.memory_space<semaphore_mem>>)
      %dma_wait3A = arith.constant 0 : i32
      %dma_wait3A_16 = arith.constant 0 : i32
      %dma_wait3A_17 = tpu.memref_slice %arg5[%arg0, %arg1, %dma_wait3A, %dma_wait3A_16] : memref<2x16x625x8xf32, #tpu.memory_space<hbm>> -> memref<1x1x625x8xf32, #tpu.memory_space<hbm>>
      %dma_wait3A_18 = tpu.memref_squeeze %dma_wait3A_17 : memref<1x1x625x8xf32, #tpu.memory_space<hbm>> -> memref<625x8xf32, #tpu.memory_space<hbm>>
      %dma_wait3A_19 = arith.constant 0 : i32
      %dma_wait3A_20 = tpu.memref_slice %arg8[%mul3A_10, %dma_wait3A_19] : memref<10000x8xf32, #tpu.memory_space<vmem_shared>> -> memref<625x8xf32, #tpu.memory_space<vmem_shared>>
      tpu.wait_dma2 semaphore(%run_scoped3A : memref<!tpu.dma_semaphore, #tpu.memory_space<semaphore_mem>>) src(%dma_wait3A_20 : memref<625x8xf32, #tpu.memory_space<vmem_shared>>) dst(%dma_wait3A_18 : memref<625x8xf32, #tpu.memory_space<hbm>>)
      tpu.yield
    }) : () -> ()
    return
  }
}

module attributes {stable_mosaic.version = 14 : i64} {
  func.func @_mm_body(%arg0: i32, %arg1: memref<1000x128xf32, #tpu.memory_space<vmem>>, %arg2: memref<128x128xf32, #tpu.memory_space<vmem>>, %arg3: memref<2x1000x8xf32, #tpu.memory_space<vmem>>, %arg4: memref<1000x128xf32, #tpu.memory_space<vmem>>) attributes {dimension_semantics = [#tpu.dimension_semantics<arbitrary>], iteration_bounds = array<i64: 10>, scalar_prefetch = 0 : i64, scratch_operands = 0 : i64, tpu.core_type = #tpu.core_type<tc>, window_params = [{transform_indices = @transform_0, window_bounds = array<i64: 1000, 128>}, {pipeline_mode = #tpu.pipeline_mode<synchronous>, transform_indices = @transform_1, window_bounds = array<i64: 128, 128>}, {transform_indices = @transform_2, window_bounds = array<i64: 2, 1000, 8>}, {transform_indices = @transform_3, window_bounds = array<i64: 1000, 128>}]} {
    %get3A = arith.constant 0 : index
    %get3A_0 = arith.constant 0 : index
    %get3A_1 = vector.load %arg1[%get3A, %get3A_0] : memref<1000x128xf32, #tpu.memory_space<vmem>>, vector<1000x128xf32>
    %get3A_2 = arith.constant 0 : index
    %get3A_3 = arith.constant 0 : index
    %get3A_4 = vector.load %arg2[%get3A_2, %get3A_3] : memref<128x128xf32, #tpu.memory_space<vmem>>, vector<128x128xf32>
    %dot_general3A = arith.constant dense<0.000000e+00> : vector<1000x128xf32>
    %dot_general3A_5 = tpu.matmul %get3A_1, %get3A_4, %dot_general3A {dimension_numbers = #tpu.dot_dimension_numbers<[1], [0], [0], [1], [0, 0, 1, 1], [], []>, transpose_lhs_hint = false} : vector<1000x128xf32>, vector<128x128xf32>, vector<1000x128xf32> -> vector<1000x128xf32>
    %get3A_6 = arith.constant 0 : index
    %get3A_7 = arith.constant 0 : index
    %get3A_8 = arith.constant 0 : index
    %get3A_9 = vector.load %arg3[%get3A_6, %get3A_7, %get3A_8] : memref<2x1000x8xf32, #tpu.memory_space<vmem>>, vector<1x1000x1xf32>
    %get3A_10 = vector.shape_cast %get3A_9 : vector<1x1000x1xf32> to vector<1000xf32>
    %get3A_11 = arith.constant 1 : index
    %get3A_12 = arith.constant 0 : index
    %get3A_13 = arith.constant 0 : index
    %get3A_14 = vector.load %arg3[%get3A_11, %get3A_12, %get3A_13] : memref<2x1000x8xf32, #tpu.memory_space<vmem>>, vector<1x1000x1xf32>
    %get3A_15 = vector.shape_cast %get3A_14 : vector<1x1000x1xf32> to vector<1000xf32>
    %add3A = arith.addf %get3A_10, %get3A_15 : vector<1000xf32>
    %add3A_16 = arith.constant 1.000000e+00 : f32
    %add3A_17 = vector.broadcast %add3A_16 : f32 to vector<1000xf32>
    %add3A_18 = arith.addf %add3A, %add3A_17 : vector<1000xf32>
    %rsqrt3A = math.rsqrt %add3A_18 : vector<1000xf32>
    %reshape3A = vector.shape_cast %rsqrt3A : vector<1000xf32> to vector<1000x1xf32>
    %mul3A = vector.broadcast %reshape3A : vector<1000x1xf32> to vector<1000x128xf32>
    %mul3A_19 = arith.mulf %dot_general3A_5, %mul3A : vector<1000x128xf32>
    %swap3A = arith.constant 0 : index
    %swap3A_20 = arith.constant 0 : index
    %swap3A_21 = vector.load %arg4[%swap3A, %swap3A_20] : memref<1000x128xf32, #tpu.memory_space<vmem>>, vector<1000x128xf32>
    tpu.vector_store %arg4[%swap3A, %swap3A_20], %mul3A_19 {strides = array<i32>} : memref<1000x128xf32, #tpu.memory_space<vmem>>, vector<1000x128xf32>,
    return
  }
  func.func @transform_0(%arg0: i32) -> (i32, i32) {
    %c0_i32 = arith.constant 0 : i32
    %c0_i32_0 = arith.constant 0 : i32
    return %arg0, %c0_i32 : i32, i32
  }
  func.func @transform_1(%arg0: i32) -> (i32, i32) {
    %c0_i32 = arith.constant 0 : i32
    %c0_i32_0 = arith.constant 0 : i32
    %c0_i32_1 = arith.constant 0 : i32
    return %c0_i32, %c0_i32_0 : i32, i32
  }
  func.func @transform_2(%arg0: i32) -> (i32, i32, i32) {
    %c0_i32 = arith.constant 0 : i32
    %c0_i32_0 = arith.constant 0 : i32
    %c0_i32_1 = arith.constant 0 : i32
    return %c0_i32, %arg0, %c0_i32_0 : i32, i32, i32
  }
  func.func @transform_3(%arg0: i32) -> (i32, i32) {
    %c0_i32 = arith.constant 0 : i32
    %c0_i32_0 = arith.constant 0 : i32
    return %arg0, %c0_i32 : i32, i32
  }
}

module attributes {stable_mosaic.version = 14 : i64} {
  func.func @_final_body(%arg0: i32, %arg1: memref<2x1000x128xf32, #tpu.memory_space<vmem>>, %arg2: memref<1000x128xf32, #tpu.memory_space<vmem>>, %arg3: memref<2x1000x8xf32, #tpu.memory_space<vmem>>, %arg4: memref<1x128xf32, #tpu.memory_space<vmem>>, %arg5: memref<1000x128xf32, #tpu.memory_space<vmem>>) attributes {dimension_semantics = [#tpu.dimension_semantics<arbitrary>], iteration_bounds = array<i64: 10>, scalar_prefetch = 0 : i64, scratch_operands = 0 : i64, tpu.core_type = #tpu.core_type<tc>, window_params = [{transform_indices = @transform_0, window_bounds = array<i64: 2, 1000, 128>}, {transform_indices = @transform_1, window_bounds = array<i64: 1000, 128>}, {transform_indices = @transform_2, window_bounds = array<i64: 2, 1000, 8>}, {pipeline_mode = #tpu.pipeline_mode<synchronous>, transform_indices = @transform_3, window_bounds = array<i64: 1, 128>}, {transform_indices = @transform_4, window_bounds = array<i64: 1000, 128>}]} {
    %get3A = arith.constant 0 : index
    %get3A_0 = arith.constant 0 : index
    %get3A_1 = arith.constant 0 : index
    %get3A_2 = vector.load %arg1[%get3A, %get3A_0, %get3A_1] : memref<2x1000x128xf32, #tpu.memory_space<vmem>>, vector<1x1000x128xf32>
    %get3A_3 = vector.shape_cast %get3A_2 : vector<1x1000x128xf32> to vector<1000x128xf32>
    %get3A_4 = arith.constant 1 : index
    %get3A_5 = arith.constant 0 : index
    %get3A_6 = arith.constant 0 : index
    %get3A_7 = vector.load %arg1[%get3A_4, %get3A_5, %get3A_6] : memref<2x1000x128xf32, #tpu.memory_space<vmem>>, vector<1x1000x128xf32>
    %get3A_8 = vector.shape_cast %get3A_7 : vector<1x1000x128xf32> to vector<1000x128xf32>
    %add3A = arith.addf %get3A_3, %get3A_8 : vector<1000x128xf32>
    %get3A_9 = arith.constant 0 : index
    %get3A_10 = arith.constant 0 : index
    %get3A_11 = vector.load %arg2[%get3A_9, %get3A_10] : memref<1000x128xf32, #tpu.memory_space<vmem>>, vector<1000x128xf32>
    %add3A_12 = arith.addf %add3A, %get3A_11 : vector<1000x128xf32>
    %get3A_13 = arith.constant 0 : index
    %get3A_14 = arith.constant 0 : index
    %get3A_15 = arith.constant 0 : index
    %get3A_16 = vector.load %arg3[%get3A_13, %get3A_14, %get3A_15] : memref<2x1000x8xf32, #tpu.memory_space<vmem>>, vector<1x1000x1xf32>
    %get3A_17 = vector.shape_cast %get3A_16 : vector<1x1000x1xf32> to vector<1000xf32>
    %get3A_18 = arith.constant 1 : index
    %get3A_19 = arith.constant 0 : index
    %get3A_20 = arith.constant 0 : index
    %get3A_21 = vector.load %arg3[%get3A_18, %get3A_19, %get3A_20] : memref<2x1000x8xf32, #tpu.memory_space<vmem>>, vector<1x1000x1xf32>
    %get3A_22 = vector.shape_cast %get3A_21 : vector<1x1000x1xf32> to vector<1000xf32>
    %add3A_23 = arith.addf %get3A_17, %get3A_22 : vector<1000xf32>
    %add3A_24 = arith.constant 1.000000e+00 : f32
    %add3A_25 = vector.broadcast %add3A_24 : f32 to vector<1000xf32>
    %add3A_26 = arith.addf %add3A_23, %add3A_25 : vector<1000xf32>
    %rsqrt3A = math.rsqrt %add3A_26 : vector<1000xf32>
    %reshape3A = vector.shape_cast %rsqrt3A : vector<1000xf32> to vector<1000x1xf32>
    %mul3A = vector.broadcast %reshape3A : vector<1000x1xf32> to vector<1000x128xf32>
    %mul3A_27 = arith.mulf %add3A_12, %mul3A : vector<1000x128xf32>
    %get3A_28 = arith.constant 0 : index
    %get3A_29 = arith.constant 0 : index
    %get3A_30 = vector.load %arg4[%get3A_28, %get3A_29] : memref<1x128xf32, #tpu.memory_space<vmem>>, vector<1x128xf32>
    %add3A_31 = vector.broadcast %get3A_30 : vector<1x128xf32> to vector<1000x128xf32>
    %add3A_32 = arith.addf %mul3A_27, %add3A_31 : vector<1000x128xf32>
    %max3A = arith.constant 0.000000e+00 : f32
    %max3A_33 = vector.broadcast %max3A : f32 to vector<1000x128xf32>
    %max3A_34 = arith.maximumf %add3A_32, %max3A_33 : vector<1000x128xf32>
    %swap3A = arith.constant 0 : index
    %swap3A_35 = arith.constant 0 : index
    %swap3A_36 = vector.load %arg5[%swap3A, %swap3A_35] : memref<1000x128xf32, #tpu.memory_space<vmem>>, vector<1000x128xf32>
    tpu.vector_store %arg5[%swap3A, %swap3A_35], %max3A_34 {strides = array<i32>} : memref<1000x128xf32, #tpu.memory_space<vmem>>, vector<1000x128xf32>,
    return
  }
  func.func @transform_0(%arg0: i32) -> (i32, i32, i32) {
    %c0_i32 = arith.constant 0 : i32
    %c0_i32_0 = arith.constant 0 : i32
    %c0_i32_1 = arith.constant 0 : i32
    return %c0_i32, %arg0, %c0_i32_0 : i32, i32, i32
  }
  func.func @transform_1(%arg0: i32) -> (i32, i32) {
    %c0_i32 = arith.constant 0 : i32
    %c0_i32_0 = arith.constant 0 : i32
    return %arg0, %c0_i32 : i32, i32
  }
  func.func @transform_2(%arg0: i32) -> (i32, i32, i32) {
    %c0_i32 = arith.constant 0 : i32
    %c0_i32_0 = arith.constant 0 : i32
    %c0_i32_1 = arith.constant 0 : i32
    return %c0_i32, %arg0, %c0_i32_0 : i32, i32, i32
  }
  func.func @transform_3(%arg0: i32) -> (i32, i32) {
    %c0_i32 = arith.constant 0 : i32
    %c0_i32_0 = arith.constant 0 : i32
    %c0_i32_1 = arith.constant 0 : i32
    return %c0_i32, %c0_i32_0 : i32, i32
  }
  func.func @transform_4(%arg0: i32) -> (i32, i32) {
    %c0_i32 = arith.constant 0 : i32
    %c0_i32_0 = arith.constant 0 : i32
    return %arg0, %c0_i32 : i32, i32
  }
}

</mosaic_0001>

<sc_bundles>
// kernel: kernel.6.cloned.1.call-start
scs
__scs_entry_jumppad:
0x0: {  	(pc) =	sbr.rel $0x88, $3  }
0x1: {  	(tag) =	ssettag $0x0;
	lr =	simm.s32 $0x1  }
0x2: {  	[smem:$0x3F9D] =	sst lr;
	_ =	strace $0xD0000000  }
0x3: {  	_ = 	snop  }
0x4: {  	_ = 	snop  }
0x5: {  	_ = 	snop  }
0x6: {  	_ = 	snop  }
0x7: {  	_ = 	snop  }
__scs_overlays_trampoline_lowered:
0x8: {  	[smem:$0x3FAC] =	sst s0  }
0x9: {  	[smem:$0x3FAD] =	sst s1  }
0xa: {  	[smem:$0x3FAE] =	sst s2  }
0xb: {  	[smem:$0x3FAF] =	sst s3  }
0xc: {  	[smem:$0x3FB0] =	sst s4  }
0xd: {  	[smem:$0x3FB1] =	sst s5  }
0xe: {  	[smem:$0x3FB2] =	sst s6  }
0xf: {  	[smem:$0x3FB3] =	sst s7  }
0x10: {  	[smem:$0x3FB4] =	sst s8  }
0x11: {  	[smem:$0x3FB5] =	sst s9;
	s0 =	simm.s32 @!p0 $0x0  }
0x12: {  	s1 =	sld [smem:$0x3F9B];
	s0 =	simm.s32 @p0 $0x1  }
0x13: {  	[smem:$0x3FB6] =	sst s0;
	s0 =	simm.s32 @!p1 $0x0  }
0x14: {  	s2 =	sld [smem:$0x3F9A];
	s0 =	simm.s32 @p1 $0x1  }
0x15: {  	[smem:$0x3FB7] =	sst s0;
	s0 =	simm.s32 @!p2 $0x0  }
0x16: {  	s3 =	sld [smem:$0x3FDB];
	s0 =	simm.s32 @p2 $0x1  }
0x17: {  	s4 =	simm.s32 $0x1BF5;
	[smem:$0x3FB9] =	sst s0  }
0x18: {  	s0 =	sld [smem:$0x3F9C];
	_ =	swait.ge [sflag:s4], $0x0  }
0x19: {  	s7 =	sld [smem:$0x3F9D]  }
0x1a: {  	s8 =	sadd.s32 $0xFFFFE003, lr  }
0x1b: {  	s9 =	sadd.s32 $0xFFFFFEF7, lr;
	s5 =	simm.s32 $0xFFFFFFFF;
	p2 =	slt.u32 s8, $0xFFFFF086  }
0x1c: {  	p1 =	slt.u32 s9, $0xF7A;
	s5 =	simm.s32 @!p2 $0x0  }
0x1d: {  	s5 =	simm.s32 @p1 $0x1;
	p0 =	seq.s32 s7, s2  }
0x1e: {  	s7 =	smul.u32 @!p0 $0xF7A, s2;
	p2 =	seq.s32 @!p0 s5, $0x0  }
0x1f: {  	s9 =	smul.u32 $0xF7A, s1;
	s8 =	simm.s32 @!p0 $0x1BF5;
	p2 =	por !p2, p0  }
0x20: {  	[sflag:s8] =	ssyncset.s32 @!p0 $0xFFFFF086;
	s6 =	sadd.s32 @!p0 s3, s7;
	s7 =	simm.s32 @!p0 $0x108  }
0x21: {  	s3 =	sadd.s32 s3, s9;
	s6 =	sadd.s32 @!p0 $0x88, s6;
	s7 =	simm.s32 @p2 $0x1082  }
0x22: {  	[simem:s7], [sflag:s8] =	dma.local @!p0 [hbm:s6], $0xF7A  }
0x23: {  	s9 =	sor.u32 $0xD0000000, s2;
	s6 =	simm.s32 $0x108;
	_ =	swait.ge @!p0 [sflag:s8], $0x0  }
0x24: {  	s3 =	sadd.s32 $0x88, s3;
	s6 =	simm.s32 @!p1 $0x1082;
	[sflag:s4] =	ssyncset.s32 $0xFFFFF086  }
0x25: {  	[simem:s6], [sflag:s4] =	dma.local [hbm:s3], $0xF7A  }
0x26: {  	[smem:$0x3F9D] =	sst s1;
	(tag) =	ssettag s2;
	_ =	strace s9  }
0x27: {  	s1 =	sld [smem:$0x3FAD]  }
0x28: {  	s2 =	sld [smem:$0x3FAE]  }
0x29: {  	s4 =	sld [smem:$0x3FB0]  }
0x2a: {  	p0 =	seq.s32 s5, $0x0;
	s5 =	sld [smem:$0x3FB1]  }
0x2b: {  	s6 =	sld [smem:$0x3FB2]  }
0x2c: {  	s7 =	sld [smem:$0x3FB3]  }
0x2d: {  	s3 =	simm.s32 $0x108;
	s8 =	sld [smem:$0x3FB4]  }
0x2e: {  	s3 =	simm.s32 @!p0 $0x1082;
	s9 =	sld [smem:$0x3FB5]  }
0x2f: {  	lr =	sadd.s32 s0, s3;
	s0 =	sld [smem:$0x3FAC]  }
0x30: {  	s3 =	sld [smem:$0x3FAF]  }
0x31: {  	[smem:$0x3FB8] =	sst s10  }
0x32: {  	s10 =	sld [smem:$0x3FB6];
	_ =	sdelay $0x3  }
0x33: {  	p0 =	seq.s32 s10, $0x1;
	s10 =	sld [smem:$0x3FB8];
	_ =	sdelay $0x3  }
0x34: {  	[smem:$0x3FB8] =	sst s10  }
0x35: {  	s10 =	sld [smem:$0x3FB7];
	_ =	sdelay $0x3  }
0x36: {  	p1 =	seq.s32 s10, $0x1;
	s10 =	sld [smem:$0x3FB8];
	_ =	sdelay $0x3  }
0x37: {  	[smem:$0x3FB8] =	sst s10  }
0x38: {  	s10 =	sld [smem:$0x3FB9]  }
0x39: {  	_ = 	snop;
	(pc) =	sbr.ind lr, $3  }
0x3a: {  	_ = 	snop  }
0x3b: {  	_ = 	snop  }
0x3c: {  	p2 =	seq.s32 s10, $0x1;
	s10 =	sld [smem:$0x3FB8]  }
0x3d: {  	_ =	shalt  }
0x3e: {  	_ =	shalt  }
0x3f: {  	_ =	shalt  }
0x40: {  	_ =	shalt  }
0x41: {  	_ =	shalt  }
0x42: {  	_ =	shalt  }
0x43: {  	_ =	shalt  }
0x44: {  	_ =	shalt  }
0x45: {  	_ =	shalt  }
0x46: {  	_ =	shalt  }
0x47: {  	_ =	shalt  }
0x48: {  	_ =	shalt  }
0x49: {  	_ =	shalt  }
0x4a: {  	_ =	shalt  }
0x4b: {  	_ =	shalt  }
0x4c: {  	_ =	shalt  }
0x4d: {  	_ =	shalt  }
0x4e: {  	_ =	shalt  }
0x4f: {  	_ =	shalt  }
0x50: {  	_ =	shalt  }
0x51: {  	_ =	shalt  }
0x52: {  	_ =	shalt  }
0x53: {  	_ =	shalt  }
0x54: {  	_ =	shalt  }
0x55: {  	_ =	shalt  }
0x56: {  	_ =	shalt  }
0x57: {  	_ =	shalt  }
0x58: {  	_ =	shalt  }
0x59: {  	_ =	shalt  }
0x5a: {  	_ =	shalt  }
0x5b: {  	_ =	shalt  }
0x5c: {  	_ =	shalt  }
0x5d: {  	_ =	shalt  }
0x5e: {  	_ =	shalt  }
0x5f: {  	_ =	shalt  }
0x60: {  	_ =	shalt  }
0x61: {  	_ =	shalt  }
0x62: {  	_ =	shalt  }
0x63: {  	_ =	shalt  }
0x64: {  	_ =	shalt  }
0x65: {  	_ =	shalt  }
0x66: {  	_ =	shalt  }
0x67: {  	_ =	shalt  }
0x68: {  	_ =	shalt  }
0x69: {  	_ =	shalt  }
0x6a: {  	_ =	shalt  }
0x6b: {  	_ =	shalt  }
0x6c: {  	_ =	shalt  }
0x6d: {  	_ =	shalt  }
0x6e: {  	_ =	shalt  }
0x6f: {  	_ =	shalt  }
0x70: {  	_ =	shalt  }
0x71: {  	_ =	shalt  }
0x72: {  	_ =	shalt  }
0x73: {  	_ =	shalt  }
0x74: {  	_ =	shalt  }
0x75: {  	_ =	shalt  }
0x76: {  	_ =	shalt  }
0x77: {  	_ =	shalt  }
0x78: {  	_ =	shalt  }
0x79: {  	_ =	shalt  }
0x7a: {  	_ =	shalt  }
0x7b: {  	_ =	shalt  }
0x7c: {  	_ =	shalt  }
0x7d: {  	_ =	shalt  }
0x7e: {  	_ =	shalt  }
0x7f: {  	_ =	shalt  }
0x80: {  	_ =	shalt  }
0x81: {  	_ =	shalt  }
0x82: {  	_ =	shalt  }
0x83: {  	_ =	shalt  }
0x84: {  	_ =	shalt  }
0x85: {  	_ =	shalt  }
0x86: {  	_ =	shalt  }
0x87: {  	_ =	shalt  }
.Lfunc_end0:
.L_simem_size_0:
called_computation_lowered:
.L_overlay_start_0:
0x88: {  	s2 =	sld [smem:$0x3FD9]  }
0x89: {  	s3 =	sld [smem:$0x3FFE];
	_ =	sdelay $0x1  }
0x8a: {  	s1 =	srdreg.scid  }
0x8b: {  	s0 =	sand.u32 $0x1, s1  }
0x8c: {  	s17 =	sshll.u32 s0, $0xA;
	s2 =	sadd.s32 s3, s2  }
0x8d: {  	s2 =	sadd.s32 s2, s17  }
0x8e: {  	[smem:$0x3FC4] =	sst s2  }
0x8f: {  	_ = 	snop  }
0x90: {  	s2 =	sld [smem:$0x3FD0];
	(tm) =	ssettm $0x1  }
0x91: {  	s18 =	sld [smem:$0x3FFB];
	_ =	sdelay $0x3  }
0x92: {  	_ =	strace s18  }
0x93: {  	s3 =	sld [smem:$0x3FFC];
	_ =	sdelay $0x3  }
0x94: {  	_ =	strace s3  }
0x95: {  	s3 =	sld [smem:$0x3FFD];
	_ =	sdelay $0x3  }
0x96: {  	_ =	strace s3  }
0x97: {  	_ =	strace $0x8FFFFFFF  }
0x98: {  	s19 =	sld [smem:$0x3FDB];
	_ =	sdelay $0x1  }
0x99: {  	s4 =	simm.s32 $_scs_section_size  }
0x9a: {  	s5 =	simm.s32 $_size__tile_overlayer_lowered;
	s6 =	simm.s32 $_tile_overlayer_lowered  }
0x9b: {  	s22 =	simm.s32 $0x1BFF;
	s21 =	sshll.u32 s6, $0x1;
	s3 =	sadd.s32 s4, s19  }
0x9c: {  	s7 =	simm.s32 $0x0;
	s20 =	sshll.u32 s5, $0x1;
	s5 =	sadd.s32 s21, s3  }
0x9d: {  	[timem:s7], [sflag:s22] =	dma.local [hbm:s5], s20  }
0x9e: {  	_ =	swait.ge [sflag:s22], s20  }
0x9f: {  	s4 =	ssub.s32 $0x0, s20;
	[sflag:s22] =	ssyncset.done $0x0  }
0xa0: {  	[sflag:s22] =	ssyncadd.s32 s4;
	_ =	sdelay $0x1  }
0xa1: {  	s23 =	simm.s32 $0x1B8B  }
0xa2: {  	_ =	swait.ge [sflag:s23], $0x1  }
0xa3: {  	[sflag:s23] =	ssyncset.done $0x0  }
0xa4: {  	s25 =	simm.s32 $0x1B8E;
	s24 =	sld [smem:$0x3FFE];
	[sflag:s23] =	ssyncadd.s32 $0xFFFFFFFF  }
0xa5: {  	s26 =	simm.s32 $execute0_lowered;
	[smem:$0x3FD2] =	sst s25  }
0xa6: {  	s5 =	sshll.u32 s26, $0x1;
	_ =	strace $0x80000046;
	[dreg:$0x1] =	wrdreg $0xFFFFFFFF  }
0xa7: {  	s28 =	simm.s32 $_size_execute0_lowered;
	s3 =	sadd.s32 s3, s5;
	[dreg:$0x0] =	wrdreg $0x0  }
0xa8: {  	s5 =	sshll.u32 s28, $0x1;
	[dreg:$0x2] =	wrdreg s3  }
0xa9: {  	[dreg:$0x3] =	wrdreg s5  }
0xaa: {  	[dreg:$0x4] =	wrdreg $0xC0  }
0xab: {  	_ =	task [dreg:s7], $0x5FFFF  }
0xac: {  	[dreg:$0x1] =	wrdreg $0xFFFFFFFF  }
0xad: {  	[dreg:$0x0] =	wrdreg $0x60  }
0xae: {  	[dreg:$0x2] =	wrdreg s24  }
0xaf: {  	[dreg:$0x3] =	wrdreg s2  }
0xb0: {  	[dreg:$0x4] =	wrdreg $0x68000  }
0xb1: {  	[dreg:$0x5] =	wrdreg $0x9  }
0xb2: {  	_ =	task.clear_ibuf [dreg:s7], $0x6FFFF;
	_ =	strace $0x90000046  }
0xb3: {  	s29 =	simm.s32 $0x9;
	_ =	strace $0x80000048  }
0xb4: {  	_ =	swait.ge [sflag:s29], $0x1  }
0xb5: {  	[sflag:s29] =	ssyncadd.s32 $0xFFFFFFFF  }
0xb6: {  	_ =	strace $0x90000048  }
0xb7: {  	_ =	sfence  }
0xb8: {  	s30 =	sld [smem:$0x0];
	_ =	sdelay $0x2  }
0xb9: {  	s31 =	sshll.u32 s1, $0xD;
	s1 =	sshrl.u32 s1, $0x2  }
0xba: {  	s3 =	sand.u32 $0x4000, s31;
	s1 =	sadd.s32 s1, s30  }
0xbb: {  	s0 =	sor.u32 s3, s0;
	s1 =	sshll.u32 s1, $0x11  }
0xbc: {  	s0 =	sor.u32 s1, s0  }
0xbd: {  	s0 =	sadd.s32 $0x8F2B, s0  }
0xbe: {  	[sflag:s0] =	ssyncadd.remote.s32 $0x1  }
0xbf: {  	_ =	sfence.sel $0xFFFF  }
0xc0: {  	[dreg:$0x0] =	wrdreg $0xFFFFFFFF;
	(pc) =	sbr.abs _section_cstart, $3  }
0xc1: {  	[dreg:$0x1] =	wrdreg $0xFFFFFFFF  }
0xc2: {  	_ =	task.clear_ibuf [dreg:s7], $0x2FFFF;
	_ =	strace $0x9FFFFFFF  }
0xc3: {  	(tm) =	ssettm $0x7FFFFFFF  }
tec
execute0_lowered:
.L_overlay_start_1:
0x0: {  	(tag) =	ssettag $0x1  }
0x1: {  	s7 =	rddreg [dreg:$0x0]  }
0x2: {  	s0 =	srdreg.scid;
	s2 =	rddreg [dreg:$0x1]  }
0x3: {  	s3 =	rddreg [dreg:$0x2];
	s4 =	simm.s32 $0x0;
	s6 =	sand.u32 $0x1, s0  }
0x4: {  	s13 =	simm.s32 $0x7D;
	s0 =	stileid.u32;
	s8 =	smul.u32 $0x13C000, s6  }
0x5: {  	s14 =	simm.s32 $0x0;
	[smem:$0x7FF] =	sst s4;
	s9 =	smul.u32 $0x13C00, s0  }
0x6: {  	s1 =	sshll.u32 s6, $0x4;
	s30 =	smul.u32 $0x4E200, s0;
	s6 =	ssub.s32 $0x2, s6  }
0x7: {  	s11 =	sshll.u32 s0, $0x6;
	s1 =	sor.u32 s0, s1;
	s31 =	sshrl.u32 s6, $0x1  }
0x8: {  	s11 =	sor.u32 $0x1C01, s11;
	s5 =	smul.u32 $0x500, s1;
	s1 =	rddreg [dreg:$0x3]  }
0x9: {  	_ =	strace $0x80000047;
	s8 =	sadd.s32 s9, s8;
	s9 =	sshrl.u32 s30, $0x2  }
0xa: {  	s8 =	sshrl.u32 s8, $0x3;
	s12 =	sadd.s32 s9, s3;
	s9 =	simm.s32 $0x1  }
0xb: {  	s10 =	sadd.s32 s5, s7;
	s5 =	sadd.s32 $0xB200, s7;
	s7 =	sadd.s32 s8, s7  }
0xc: {  	s8 =	ssub.s32 s6, s31;
	s12 =	sshrl.u32 s12, $0x3;
	s6 =	sadd.s32 $0x1200, s10  }
0xd: {  	s7 =	sadd.s32 $0xBA00, s7;
	s8 =	smax.u32 s8, $0x1;
	s10 =	simm.s32 $0x2800  }
.LBB2_1:
0xe: {  	[tilespmem:s4], [sflag:$0x1] =	stream.linear.gather [hbm4b:s6+s4], $0x2800, $0x38;
	[tilespmem:$0x7B88] =	vst v63  }
0xf: {  	_ =	swait.ge [sflag:s9], $0x2800  }
0x10: {  	[sflag:s9] =	ssyncset.done $0x0  }
0x11: {  	[sflag:s9] =	ssyncadd.s32 $0xFFFFD800  }
0x12: {  	[tilespmem:s10], [sflag:$0x1] =	stream.linear.gather [hbm4b:s5+s4], $0x3E80, $0x38;
	[tilespmem:$0x7B88] =	vst v63  }
0x13: {  	_ =	swait.ge [sflag:s9], $0x3E80  }
0x14: {  	[sflag:s9] =	ssyncset.done $0x0  }
0x15: {  	[sflag:s9] =	ssyncadd.s32 $0xFFFFC180  }
0x16: {  	[spmem:s12], [sflag:s11] =	dma.local [hbm:s2], $0x2710  }
0x17: {  	_ =	swait.ge [sflag:s9], $0x2710  }
0x18: {  	[sflag:s9] =	ssyncset.done $0x0  }
0x19: {  	[sflag:s9] =	ssyncadd.s32 $0xFFFFD8F0  }
0x1a: {  	s15 =	simm.s32 $0x0;
	[bflag:$0x0] =	sbarrier.arrive $0xFFFF  }
0x1b: {  	[spmem:s3] =	stream.indirect.scatter.add.f32 [tilespmem:s10], [sflag:$0x1], $0x8, s15, s13, $0xb8;
	[tilespmem:$0x7B88] =	vst v63  }
0x1c: {  	_ =	swait.ge [sflag:s9], $0x3E8  }
0x1d: {  	s15 =	simm.s32 $0x200;
	[sflag:s9] =	ssyncset.done $0x0  }
.LBB2_2:
0x1e: {  	s16 =	sshra.s32 s15, $0x2;
	[sflag:s9] =	ssyncadd.s32 $0xFFFFFC18;
	p0 =	sne.s32 s15, $0x9E00  }
0x1f: {  	[spmem:s3] =	stream.indirect.scatter.add.f32 [tilespmem:s10], [sflag:$0x1], $0x8, s16, s13, $0xb8;
	[tilespmem:$0x7B88] =	vst v63  }
.Ltmp0:
0x20: {  	_ = 	snop;
	(pc) =	sbr.rel @p0 .LBB2_2-.Ltmp0, $4  }
0x21: {  	_ = 	snop  }
0x22: {  	s15 =	sadd.s32 $0x200, s15  }
0x23: {  	_ =	swait.ge [sflag:s9], $0x3E8  }
0x24: {  	[sflag:s9] =	ssyncset.done $0x0  }
0x25: {  	s14 =	sadd.s32 $0x1, s14  }
0x26: {  	[sflag:s9] =	ssyncadd.s32 $0xFFFFFC18;
	p0 =	sne.s32 s14, s8  }
.Ltmp1:
0x27: {  	[bflag:$0x0] =	sbarrier.arrive $0xFFFF;
	(pc) =	sbr.rel @p0 .LBB2_1-.Ltmp1, $4  }
0x28: {  	[hbm:s7], [sflag:s11] =	dma.local [spmem:s12], $0x2710  }
0x29: {  	_ =	swait.ge [sflag:s9], $0x2710  }
0x2a: {  	[sflag:s9] =	ssyncset.done $0x0  }
0x2b: {  	[sflag:s9] =	ssyncadd.s32 $0xFFFFD8F0  }
0x2c: {  	_ =	sfence.sel $0x180000  }
0x2d: {  	[bflag:$0x0] =	sbarrier.arrive $0xFFFF  }
0x2e: {  	p0 =	sne.s32 s0, $0x0;
	_ =	strace $0x90000047  }
0x2f: {  	s0 =	sadd.s32 @!p0 $0x100000, s1;
	[bflag:$0x2] =	sbarrier.arrive $0xFFFF  }
0x30: {  	[sflag:s0] =	ssyncadd.tile.s32 @!p0 $0x1;
	_ =	shalt  }
.Lfunc_end2:
_tile_overlayer_lowered:
.L_overlay_start_2:
0x31: {  	(tag) =	ssettag $0x2  }
0x32: {  	s0 =	rddreg [dreg:$0x0];
	s2 =	stileid.u32  }
0x33: {  	s1 =	rddreg [dreg:$0x1];
	p0 =	sne.s32 s2, $0x0  }
0x34: {  	s3 =	rddreg [dreg:$0x2];
	[bflag:$0x3] =	sbarrier.arrive $0xFFFF;
	s2 =	simm.s32 @!p0 $0x1C01  }
0x35: {  	[timem:s3], [sflag:s2] =	dma.local @!p0 [hbm:s0], s1  }
0x36: {  	s0 =	simm.s32 @!p0 $0x1  }
0x37: {  	_ =	swait.ge @!p0 [sflag:s0], s1  }
0x38: {  	s1 =	ssub.s32 @!p0 $0x0, s1;
	[sflag:s0] =	ssyncset.done @!p0 $0x0  }
0x39: {  	[sflag:s0] =	ssyncadd.s32 @!p0 s1  }
0x3a: {  	[bflag:$0x3] =	sbarrier.arrive $0xFFFF  }
0x3b: {  	_ =	shalt  }

// kernel: kernel.9.cloned.1.call-start
scs
__scs_entry_jumppad:
0x0: {  	(pc) =	sbr.rel $0x88, $3  }
0x1: {  	(tag) =	ssettag $0x0;
	lr =	simm.s32 $0x1  }
0x2: {  	[smem:$0x3F9D] =	sst lr;
	_ =	strace $0xD0000000  }
0x3: {  	_ = 	snop  }
0x4: {  	_ = 	snop  }
0x5: {  	_ = 	snop  }
0x6: {  	_ = 	snop  }
0x7: {  	_ = 	snop  }
__scs_overlays_trampoline_lowered:
0x8: {  	[smem:$0x3FAC] =	sst s0  }
0x9: {  	[smem:$0x3FAD] =	sst s1  }
0xa: {  	[smem:$0x3FAE] =	sst s2  }
0xb: {  	[smem:$0x3FAF] =	sst s3  }
0xc: {  	[smem:$0x3FB0] =	sst s4  }
0xd: {  	[smem:$0x3FB1] =	sst s5  }
0xe: {  	[smem:$0x3FB2] =	sst s6  }
0xf: {  	[smem:$0x3FB3] =	sst s7  }
0x10: {  	[smem:$0x3FB4] =	sst s8  }
0x11: {  	[smem:$0x3FB5] =	sst s9;
	s0 =	simm.s32 @!p0 $0x0  }
0x12: {  	s1 =	sld [smem:$0x3F9B];
	s0 =	simm.s32 @p0 $0x1  }
0x13: {  	[smem:$0x3FB6] =	sst s0;
	s0 =	simm.s32 @!p1 $0x0  }
0x14: {  	s2 =	sld [smem:$0x3F9A];
	s0 =	simm.s32 @p1 $0x1  }
0x15: {  	[smem:$0x3FB7] =	sst s0;
	s0 =	simm.s32 @!p2 $0x0  }
0x16: {  	s3 =	sld [smem:$0x3FDB];
	s0 =	simm.s32 @p2 $0x1  }
0x17: {  	s4 =	simm.s32 $0x1BF5;
	[smem:$0x3FB9] =	sst s0  }
0x18: {  	s0 =	sld [smem:$0x3F9C];
	_ =	swait.ge [sflag:s4], $0x0  }
0x19: {  	s7 =	sld [smem:$0x3F9D]  }
0x1a: {  	s8 =	sadd.s32 $0xFFFFE003, lr  }
0x1b: {  	s9 =	sadd.s32 $0xFFFFFEF7, lr;
	s5 =	simm.s32 $0xFFFFFFFF;
	p2 =	slt.u32 s8, $0xFFFFF086  }
0x1c: {  	p1 =	slt.u32 s9, $0xF7A;
	s5 =	simm.s32 @!p2 $0x0  }
0x1d: {  	s5 =	simm.s32 @p1 $0x1;
	p0 =	seq.s32 s7, s2  }
0x1e: {  	s7 =	smul.u32 @!p0 $0xF7A, s2;
	p2 =	seq.s32 @!p0 s5, $0x0  }
0x1f: {  	s9 =	smul.u32 $0xF7A, s1;
	s8 =	simm.s32 @!p0 $0x1BF5;
	p2 =	por !p2, p0  }
0x20: {  	[sflag:s8] =	ssyncset.s32 @!p0 $0xFFFFF086;
	s6 =	sadd.s32 @!p0 s3, s7;
	s7 =	simm.s32 @!p0 $0x108  }
0x21: {  	s3 =	sadd.s32 s3, s9;
	s6 =	sadd.s32 @!p0 $0x88, s6;
	s7 =	simm.s32 @p2 $0x1082  }
0x22: {  	[simem:s7], [sflag:s8] =	dma.local @!p0 [hbm:s6], $0xF7A  }
0x23: {  	s9 =	sor.u32 $0xD0000000, s2;
	s6 =	simm.s32 $0x108;
	_ =	swait.ge @!p0 [sflag:s8], $0x0  }
0x24: {  	s3 =	sadd.s32 $0x88, s3;
	s6 =	simm.s32 @!p1 $0x1082;
	[sflag:s4] =	ssyncset.s32 $0xFFFFF086  }
0x25: {  	[simem:s6], [sflag:s4] =	dma.local [hbm:s3], $0xF7A  }
0x26: {  	[smem:$0x3F9D] =	sst s1;
	(tag) =	ssettag s2;
	_ =	strace s9  }
0x27: {  	s1 =	sld [smem:$0x3FAD]  }
0x28: {  	s2 =	sld [smem:$0x3FAE]  }
0x29: {  	s4 =	sld [smem:$0x3FB0]  }
0x2a: {  	p0 =	seq.s32 s5, $0x0;
	s5 =	sld [smem:$0x3FB1]  }
0x2b: {  	s6 =	sld [smem:$0x3FB2]  }
0x2c: {  	s7 =	sld [smem:$0x3FB3]  }
0x2d: {  	s3 =	simm.s32 $0x108;
	s8 =	sld [smem:$0x3FB4]  }
0x2e: {  	s3 =	simm.s32 @!p0 $0x1082;
	s9 =	sld [smem:$0x3FB5]  }
0x2f: {  	lr =	sadd.s32 s0, s3;
	s0 =	sld [smem:$0x3FAC]  }
0x30: {  	s3 =	sld [smem:$0x3FAF]  }
0x31: {  	[smem:$0x3FB8] =	sst s10  }
0x32: {  	s10 =	sld [smem:$0x3FB6];
	_ =	sdelay $0x3  }
0x33: {  	p0 =	seq.s32 s10, $0x1;
	s10 =	sld [smem:$0x3FB8];
	_ =	sdelay $0x3  }
0x34: {  	[smem:$0x3FB8] =	sst s10  }
0x35: {  	s10 =	sld [smem:$0x3FB7];
	_ =	sdelay $0x3  }
0x36: {  	p1 =	seq.s32 s10, $0x1;
	s10 =	sld [smem:$0x3FB8];
	_ =	sdelay $0x3  }
0x37: {  	[smem:$0x3FB8] =	sst s10  }
0x38: {  	s10 =	sld [smem:$0x3FB9]  }
0x39: {  	_ = 	snop;
	(pc) =	sbr.ind lr, $3  }
0x3a: {  	_ = 	snop  }
0x3b: {  	_ = 	snop  }
0x3c: {  	p2 =	seq.s32 s10, $0x1;
	s10 =	sld [smem:$0x3FB8]  }
0x3d: {  	_ =	shalt  }
0x3e: {  	_ =	shalt  }
0x3f: {  	_ =	shalt  }
0x40: {  	_ =	shalt  }
0x41: {  	_ =	shalt  }
0x42: {  	_ =	shalt  }
0x43: {  	_ =	shalt  }
0x44: {  	_ =	shalt  }
0x45: {  	_ =	shalt  }
0x46: {  	_ =	shalt  }
0x47: {  	_ =	shalt  }
0x48: {  	_ =	shalt  }
0x49: {  	_ =	shalt  }
0x4a: {  	_ =	shalt  }
0x4b: {  	_ =	shalt  }
0x4c: {  	_ =	shalt  }
0x4d: {  	_ =	shalt  }
0x4e: {  	_ =	shalt  }
0x4f: {  	_ =	shalt  }
0x50: {  	_ =	shalt  }
0x51: {  	_ =	shalt  }
0x52: {  	_ =	shalt  }
0x53: {  	_ =	shalt  }
0x54: {  	_ =	shalt  }
0x55: {  	_ =	shalt  }
0x56: {  	_ =	shalt  }
0x57: {  	_ =	shalt  }
0x58: {  	_ =	shalt  }
0x59: {  	_ =	shalt  }
0x5a: {  	_ =	shalt  }
0x5b: {  	_ =	shalt  }
0x5c: {  	_ =	shalt  }
0x5d: {  	_ =	shalt  }
0x5e: {  	_ =	shalt  }
0x5f: {  	_ =	shalt  }
0x60: {  	_ =	shalt  }
0x61: {  	_ =	shalt  }
0x62: {  	_ =	shalt  }
0x63: {  	_ =	shalt  }
0x64: {  	_ =	shalt  }
0x65: {  	_ =	shalt  }
0x66: {  	_ =	shalt  }
0x67: {  	_ =	shalt  }
0x68: {  	_ =	shalt  }
0x69: {  	_ =	shalt  }
0x6a: {  	_ =	shalt  }
0x6b: {  	_ =	shalt  }
0x6c: {  	_ =	shalt  }
0x6d: {  	_ =	shalt  }
0x6e: {  	_ =	shalt  }
0x6f: {  	_ =	shalt  }
0x70: {  	_ =	shalt  }
0x71: {  	_ =	shalt  }
0x72: {  	_ =	shalt  }
0x73: {  	_ =	shalt  }
0x74: {  	_ =	shalt  }
0x75: {  	_ =	shalt  }
0x76: {  	_ =	shalt  }
0x77: {  	_ =	shalt  }
0x78: {  	_ =	shalt  }
0x79: {  	_ =	shalt  }
0x7a: {  	_ =	shalt  }
0x7b: {  	_ =	shalt  }
0x7c: {  	_ =	shalt  }
0x7d: {  	_ =	shalt  }
0x7e: {  	_ =	shalt  }
0x7f: {  	_ =	shalt  }
0x80: {  	_ =	shalt  }
0x81: {  	_ =	shalt  }
0x82: {  	_ =	shalt  }
0x83: {  	_ =	shalt  }
0x84: {  	_ =	shalt  }
0x85: {  	_ =	shalt  }
0x86: {  	_ =	shalt  }
0x87: {  	_ =	shalt  }
.Lfunc_end0:
.L_simem_size_0:
called_computation.1_lowered:
.L_overlay_start_0:
0x88: {  	s2 =	sld [smem:$0x3FD9]  }
0x89: {  	s3 =	sld [smem:$0x3FFE];
	_ =	sdelay $0x1  }
0x8a: {  	s1 =	srdreg.scid  }
0x8b: {  	s0 =	sand.u32 $0x1, s1  }
0x8c: {  	s17 =	sshll.u32 s0, $0xA;
	s2 =	sadd.s32 s3, s2  }
0x8d: {  	s2 =	sadd.s32 s2, s17  }
0x8e: {  	[smem:$0x3FC4] =	sst s2  }
0x8f: {  	_ = 	snop  }
0x90: {  	s2 =	sld [smem:$0x3FD0];
	(tm) =	ssettm $0x1  }
0x91: {  	s18 =	sld [smem:$0x3FFB];
	_ =	sdelay $0x3  }
0x92: {  	_ =	strace s18  }
0x93: {  	s3 =	sld [smem:$0x3FFC];
	_ =	sdelay $0x3  }
0x94: {  	_ =	strace s3  }
0x95: {  	s3 =	sld [smem:$0x3FFD];
	_ =	sdelay $0x3  }
0x96: {  	_ =	strace s3  }
0x97: {  	_ =	strace $0x8FFFFFFF  }
0x98: {  	s19 =	sld [smem:$0x3FDB];
	_ =	sdelay $0x1  }
0x99: {  	s4 =	simm.s32 $_scs_section_size  }
0x9a: {  	s5 =	simm.s32 $_size__tile_overlayer_lowered;
	s6 =	simm.s32 $_tile_overlayer_lowered  }
0x9b: {  	s22 =	simm.s32 $0x1BFF;
	s21 =	sshll.u32 s6, $0x1;
	s3 =	sadd.s32 s4, s19  }
0x9c: {  	s7 =	simm.s32 $0x0;
	s20 =	sshll.u32 s5, $0x1;
	s5 =	sadd.s32 s21, s3  }
0x9d: {  	[timem:s7], [sflag:s22] =	dma.local [hbm:s5], s20  }
0x9e: {  	_ =	swait.ge [sflag:s22], s20  }
0x9f: {  	s4 =	ssub.s32 $0x0, s20;
	[sflag:s22] =	ssyncset.done $0x0  }
0xa0: {  	[sflag:s22] =	ssyncadd.s32 s4;
	_ =	sdelay $0x1  }
0xa1: {  	s23 =	simm.s32 $0x1B8B  }
0xa2: {  	_ =	swait.ge [sflag:s23], $0x1  }
0xa3: {  	[sflag:s23] =	ssyncset.done $0x0  }
0xa4: {  	s25 =	simm.s32 $0x1B8E;
	s24 =	sld [smem:$0x3FFE];
	[sflag:s23] =	ssyncadd.s32 $0xFFFFFFFF  }
0xa5: {  	s26 =	simm.s32 $execute0_lowered;
	[smem:$0x3FD2] =	sst s25  }
0xa6: {  	s5 =	sshll.u32 s26, $0x1;
	_ =	strace $0x80000049;
	[dreg:$0x1] =	wrdreg $0xFFFFFFFF  }
0xa7: {  	s28 =	simm.s32 $_size_execute0_lowered;
	s3 =	sadd.s32 s3, s5;
	[dreg:$0x0] =	wrdreg $0x0  }
0xa8: {  	s5 =	sshll.u32 s28, $0x1;
	[dreg:$0x2] =	wrdreg s3  }
0xa9: {  	[dreg:$0x3] =	wrdreg s5  }
0xaa: {  	[dreg:$0x4] =	wrdreg $0xC0  }
0xab: {  	_ =	task [dreg:s7], $0x5FFFF  }
0xac: {  	[dreg:$0x1] =	wrdreg $0xFFFFFFFF  }
0xad: {  	[dreg:$0x0] =	wrdreg $0x60  }
0xae: {  	[dreg:$0x2] =	wrdreg s2  }
0xaf: {  	[dreg:$0x3] =	wrdreg s24  }
0xb0: {  	[dreg:$0x4] =	wrdreg $0xA8000  }
0xb1: {  	[dreg:$0x5] =	wrdreg $0x9  }
0xb2: {  	_ =	task.clear_ibuf [dreg:s7], $0x6FFFF;
	_ =	strace $0x90000049  }
0xb3: {  	s29 =	simm.s32 $0x9;
	_ =	strace $0x8000004B  }
0xb4: {  	_ =	swait.ge [sflag:s29], $0x1  }
0xb5: {  	[sflag:s29] =	ssyncadd.s32 $0xFFFFFFFF  }
0xb6: {  	_ =	strace $0x9000004B  }
0xb7: {  	_ =	sfence  }
0xb8: {  	s30 =	sld [smem:$0x0];
	_ =	sdelay $0x2  }
0xb9: {  	s31 =	sshll.u32 s1, $0xD;
	s1 =	sshrl.u32 s1, $0x2  }
0xba: {  	s3 =	sand.u32 $0x4000, s31;
	s1 =	sadd.s32 s1, s30  }
0xbb: {  	s0 =	sor.u32 s3, s0;
	s1 =	sshll.u32 s1, $0x11  }
0xbc: {  	s0 =	sor.u32 s1, s0  }
0xbd: {  	s0 =	sadd.s32 $0x8F2B, s0  }
0xbe: {  	[sflag:s0] =	ssyncadd.remote.s32 $0x1  }
0xbf: {  	_ =	sfence.sel $0xFFFF  }
0xc0: {  	[dreg:$0x0] =	wrdreg $0xFFFFFFFF;
	(pc) =	sbr.abs _section_cstart, $3  }
0xc1: {  	[dreg:$0x1] =	wrdreg $0xFFFFFFFF  }
0xc2: {  	_ =	task.clear_ibuf [dreg:s7], $0x2FFFF;
	_ =	strace $0x9FFFFFFF  }
0xc3: {  	(tm) =	ssettm $0x7FFFFFFF  }
tec
execute0_lowered:
.L_overlay_start_1:
0x0: {  	(tag) =	ssettag $0x1  }
0x1: {  	s1 =	rddreg [dreg:$0x0]  }
0x2: {  	s6 =	rddreg [dreg:$0x1]  }
0x3: {  	s2 =	rddreg [dreg:$0x2]  }
0x4: {  	s4 =	simm.s32 $0x0;
	s3 =	srdreg.scid;
	s0 =	stileid.u32  }
0x5: {  	s19 =	simm.s32 $0x1400;
	s20 =	simm.s32 $0x7D;
	s28 =	simm.s32 $0x2780  }
0x6: {  	s29 =	simm.s32 $0x0;
	[smem:$0x7FF] =	sst s4;
	s8 =	smul.u32 $0x13C00, s0  }
0x7: {  	s5 =	sand.u32 $0x1, s3;
	s9 =	sadd.s32 $0x5AA00, s6;
	s26 =	smul.u32 $0x4E200, s0  }
0x8: {  	s10 =	sadd.s32 $0x1200, s6;
	s24 =	sshll.u32 s0, $0x6;
	s7 =	smul.u32 $0x13C000, s5  }
0x9: {  	_ =	strace $0x8000004A;
	s11 =	sshll.u32 s5, $0x4;
	s21 =	ssub.s32 $0x2, s5  }
0xa: {  	s5 =	sadd.s32 $0x59400, s6;
	s22 =	sor.u32 s0, s11;
	s23 =	sshrl.u32 s21, $0x1  }
0xb: {  	s15 =	sshrl.u32 s26, $0x2;
	s26 =	simm.s32 $0x2700;
	s7 =	sadd.s32 s8, s7  }
0xc: {  	s12 =	smul.u32 $0x2800, s22;
	s14 =	ssub.s32 s21, s23;
	s31 =	sadd.s32 s15, s2  }
0xd: {  	s21 =	simm.s32 $0x2800;
	s22 =	simm.s32 $0x1;
	s23 =	simm.s32 $0x6800  }
0xe: {  	s7 =	sshrl.u32 s7, $0x3;
	s15 =	sadd.s32 $0x3E80, s31;
	s16 =	sadd.s32 $0x7D00, s31  }
0xf: {  	s17 =	sadd.s32 $0xBB80, s31;
	s18 =	sadd.s32 $0xFA00, s31;
	s13 =	sadd.s32 s7, s6  }
0x10: {  	s25 =	sshrl.u32 s12, $0x3;
	s6 =	sor.u32 $0x1C03, s24;
	s15 =	sshrl.u32 s15, $0x3  }
0x11: {  	s16 =	sshrl.u32 s16, $0x3;
	s17 =	sshrl.u32 s17, $0x3;
	s18 =	sshrl.u32 s18, $0x3  }
0x12: {  	s24 =	simm.s32 $0x2;
	s30 =	sadd.s32 s9, s25;
	s12 =	sadd.s32 $0x280, s25  }
0x13: {  	s8 =	sadd.s32 s10, s25;
	s11 =	sadd.s32 $0x64A00, s13;
	s13 =	sshrl.u32 s31, $0x3  }
0x14: {  	s25 =	simm.s32 $0x1380;
	[dreg:$0x4] =	wrdreg s30;
	s9 =	sadd.s32 s9, s12  }
0x15: {  	s10 =	sadd.s32 s10, s12;
	s12 =	smax.u32 s14, $0x1;
	s14 =	simm.s32 $0x3  }
.LBB2_1:
0x16: {  	[spmem:s13], [sflag:s6] =	dma.local [hbm:s5], $0x7D0  }
0x17: {  	_ =	swait.ge [sflag:s14], $0x7D0  }
0x18: {  	[sflag:s14] =	ssyncset.done $0x0  }
0x19: {  	[sflag:s14] =	ssyncadd.s32 $0xFFFFF830  }
0x1a: {  	[spmem:s15], [sflag:s6] =	dma.local [hbm:s5], $0x7D0  }
0x1b: {  	_ =	swait.ge [sflag:s14], $0x7D0  }
0x1c: {  	[sflag:s14] =	ssyncset.done $0x0  }
0x1d: {  	[sflag:s14] =	ssyncadd.s32 $0xFFFFF830  }
0x1e: {  	[spmem:s16], [sflag:s6] =	dma.local [hbm:s5], $0x7D0  }
0x1f: {  	_ =	swait.ge [sflag:s14], $0x7D0  }
0x20: {  	[sflag:s14] =	ssyncset.done $0x0  }
0x21: {  	[sflag:s14] =	ssyncadd.s32 $0xFFFFF830  }
0x22: {  	[spmem:s17], [sflag:s6] =	dma.local [hbm:s5], $0x7D0  }
0x23: {  	_ =	swait.ge [sflag:s14], $0x7D0  }
0x24: {  	[sflag:s14] =	ssyncset.done $0x0  }
0x25: {  	[sflag:s14] =	ssyncadd.s32 $0xFFFFF830  }
0x26: {  	[spmem:s18], [sflag:s6] =	dma.local [hbm:s5], $0x7D0  }
0x27: {  	_ =	swait.ge [sflag:s14], $0x7D0  }
0x28: {  	[sflag:s14] =	ssyncset.done $0x0  }
0x29: {  	[sflag:s14] =	ssyncadd.s32 $0xFFFFF830  }
0x2a: {  	[bflag:$0x0] =	sbarrier.arrive $0xFFFF  }
0x2b: {  	s0 =	rddreg [dreg:$0x4]  }
0x2c: {  	[tilespmem:s4], [sflag:$0x3] =	stream.linear.gather [hbm4b:s0+s4], $0x1400, $0x38;
	[tilespmem:$0x1E080] =	vst v63  }
0x2d: {  	_ =	swait.ge [sflag:s14], $0x1400  }
0x2e: {  	[sflag:s14] =	ssyncset.done $0x0  }
0x2f: {  	[sflag:s14] =	ssyncadd.s32 $0xFFFFEC00  }
0x30: {  	[tilespmem:s19], [sflag:$0x3] =	stream.linear.gather [hbm4b:s8+s4], $0x1400, $0x38;
	[tilespmem:$0x1E080] =	vst v63  }
0x31: {  	_ =	swait.ge [sflag:s14], $0x1400  }
0x32: {  	[sflag:s14] =	ssyncset.done $0x0  }
0x33: {  	[sflag:s14] =	ssyncadd.s32 $0xFFFFEC00  }
0x34: {  	[tilespmem:s21], [sflag:$0x1] =	stream.indirect.gather [hbm4b:s1+s20], $0x80, s4, s20, $0xb8;
	[tilespmem:$0x1E080] =	vst v63  }
0x35: {  	_ =	swait.ge [sflag:s22], $0x3E80  }
0x36: {  	[sflag:s22] =	ssyncset.done $0x0  }
0x37: {  	s30 =	simm.s32 $0x80;
	[sflag:s22] =	ssyncadd.s32 $0xFFFFC180  }
0x38: {  	[tilespmem:s23], [sflag:$0x2] =	stream.indirect.gather [hbm4b:s1+s20], $0x80, s30, s20, $0xb8;
	[tilespmem:$0x1E080] =	vst v63  }
0x39: {  	s30 =	simm.s32 $0x1400  }
0x3a: {  	[spmem:s2] =	stream.indirect.scatter.add.f32 [tilespmem:s21], [sflag:$0x3], $0x80, s30, s20, $0xb8;
	[tilespmem:$0x1E080] =	vst v63  }
0x3b: {  	_ =	swait.ge [sflag:s14], $0x3E80  }
0x3c: {  	[sflag:s14] =	ssyncset.done $0x0  }
0x3d: {  	[sflag:s14] =	ssyncadd.s32 $0xFFFFC180  }
0x3e: {  	_ =	swait.ge [sflag:s24], $0x3E80  }
0x3f: {  	[sflag:s24] =	ssyncset.done $0x0  }
0x40: {  	s30 =	simm.s32 $0x100;
	[sflag:s24] =	ssyncadd.s32 $0xFFFFC180  }
0x41: {  	[tilespmem:s21], [sflag:$0x1] =	stream.indirect.gather [hbm4b:s1+s20], $0x80, s30, s20, $0xb8;
	[tilespmem:$0x1E080] =	vst v63  }
0x42: {  	s30 =	simm.s32 $0x1480  }
0x43: {  	[spmem:s2] =	stream.indirect.scatter.add.f32 [tilespmem:s23], [sflag:$0x3], $0x80, s30, s20, $0xb8;
	[tilespmem:$0x1E080] =	vst v63  }
0x44: {  	_ =	swait.ge [sflag:s14], $0x3E80  }
0x45: {  	[sflag:s14] =	ssyncset.done $0x0  }
0x46: {  	[sflag:s14] =	ssyncadd.s32 $0xFFFFC180  }
0x47: {  	_ =	swait.ge [sflag:s22], $0x3E80  }
0x48: {  	s31 =	simm.s32 $0x800;
	s30 =	simm.s32 $0x100;
	[sflag:s22] =	ssyncset.done $0x0  }
.LBB2_2:
0x49: {  	s0 =	sadd.s32 $0x80, s30  }
0x4a: {  	[sflag:s22] =	ssyncadd.s32 $0xFFFFC180;
	s3 =	smov.u32 s31;
	s7 =	sadd.s32 $0x400, s31  }
0x4b: {  	[tilespmem:s23], [sflag:$0x2] =	stream.indirect.gather [hbm4b:s1+s20], $0x80, s0, s20, $0xb8;
	[tilespmem:$0x1E080] =	vst v63  }
0x4c: {  	p0 =	sne.s32 s31, $0x4800;
	s0 =	sadd.s32 $0x1400, s30  }
0x4d: {  	[spmem:s2] =	stream.indirect.scatter.add.f32 [tilespmem:s21], [sflag:$0x3], $0x80, s0, s20, $0xb8;
	[tilespmem:$0x1E080] =	vst v63  }
0x4e: {  	_ =	swait.ge [sflag:s14], $0x3E80  }
0x4f: {  	[sflag:s14] =	ssyncset.done $0x0  }
0x50: {  	[sflag:s14] =	ssyncadd.s32 $0xFFFFC180  }
0x51: {  	_ =	swait.ge [sflag:s24], $0x3E80  }
0x52: {  	[sflag:s24] =	ssyncset.done $0x0  }
0x53: {  	s0 =	sadd.s32 $0x100, s30;
	[sflag:s24] =	ssyncadd.s32 $0xFFFFC180  }
0x54: {  	[tilespmem:s21], [sflag:$0x1] =	stream.indirect.gather [hbm4b:s1+s20], $0x80, s0, s20, $0xb8;
	[tilespmem:$0x1E080] =	vst v63  }
0x55: {  	s0 =	sadd.s32 $0x1480, s30  }
0x56: {  	[spmem:s2] =	stream.indirect.scatter.add.f32 [tilespmem:s23], [sflag:$0x3], $0x80, s0, s20, $0xb8;
	[tilespmem:$0x1E080] =	vst v63  }
.Ltmp0:
0x57: {  	_ =	swait.ge [sflag:s14], $0x3E80;
	(pc) =	sbr.rel @p0 .LBB2_2-.Ltmp0, $4  }
0x58: {  	[sflag:s14] =	ssyncset.done $0x0  }
0x59: {  	[sflag:s14] =	ssyncadd.s32 $0xFFFFC180  }
0x5a: {  	_ =	swait.ge [sflag:s22], $0x3E80  }
0x5b: {  	s31 =	smov.u32 s7;
	s30 =	sshra.s32 s3, $0x2;
	[sflag:s22] =	ssyncset.done $0x0  }
0x5c: {  	s0 =	sadd.s32 $0x80, s30;
	[sflag:s22] =	ssyncadd.s32 $0xFFFFC180  }
0x5d: {  	[tilespmem:s23], [sflag:$0x2] =	stream.indirect.gather [hbm4b:s1+s20], $0x80, s0, s20, $0xb8;
	[tilespmem:$0x1E080] =	vst v63  }
0x5e: {  	s3 =	sadd.s32 $0x1400, s30  }
0x5f: {  	[spmem:s2] =	stream.indirect.scatter.add.f32 [tilespmem:s21], [sflag:$0x3], $0x80, s3, s20, $0xb8;
	[tilespmem:$0x1E080] =	vst v63  }
0x60: {  	_ =	swait.ge [sflag:s14], $0x3E80  }
0x61: {  	[sflag:s14] =	ssyncset.done $0x0  }
0x62: {  	[sflag:s14] =	ssyncadd.s32 $0xFFFFC180  }
0x63: {  	_ =	swait.ge [sflag:s24], $0x3E80  }
0x64: {  	[sflag:s24] =	ssyncset.done $0x0  }
0x65: {  	s7 =	sadd.s32 $0x100, s30;
	[sflag:s24] =	ssyncadd.s32 $0xFFFFC180  }
0x66: {  	[tilespmem:s21], [sflag:$0x1] =	stream.indirect.gather [hbm4b:s1+s20], $0x80, s7, s20, $0xb8;
	[tilespmem:$0x1E080] =	vst v63  }
0x67: {  	s3 =	sadd.s32 $0x1480, s30  }
0x68: {  	[spmem:s2] =	stream.indirect.scatter.add.f32 [tilespmem:s23], [sflag:$0x3], $0x80, s3, s20, $0xb8;
	[tilespmem:$0x1E080] =	vst v63  }
0x69: {  	_ =	swait.ge [sflag:s14], $0x3E80  }
0x6a: {  	[sflag:s14] =	ssyncset.done $0x0  }
0x6b: {  	[sflag:s14] =	ssyncadd.s32 $0xFFFFC180  }
0x6c: {  	_ =	swait.ge [sflag:s22], $0x3E80  }
0x6d: {  	[sflag:s22] =	ssyncset.done $0x0  }
0x6e: {  	[sflag:s22] =	ssyncadd.s32 $0xFFFFC180  }
0x6f: {  	[tilespmem:s23], [sflag:$0x2] =	stream.indirect.gather [hbm4b:s1+s20], $0x80, s25, s20, $0xb8;
	[tilespmem:$0x1E080] =	vst v63  }
0x70: {  	_ = 	snop  }
0x71: {  	[spmem:s2] =	stream.indirect.scatter.add.f32 [tilespmem:s21], [sflag:$0x3], $0x80, s26, s20, $0xb8;
	[tilespmem:$0x1E080] =	vst v63  }
0x72: {  	_ =	swait.ge [sflag:s14], $0x3E80  }
0x73: {  	[sflag:s14] =	ssyncset.done $0x0  }
0x74: {  	[sflag:s14] =	ssyncadd.s32 $0xFFFFC180  }
0x75: {  	_ =	swait.ge [sflag:s24], $0x3E80  }
0x76: {  	[sflag:s24] =	ssyncset.done $0x0  }
0x77: {  	[sflag:s24] =	ssyncadd.s32 $0xFFFFC180  }
0x78: {  	[tilespmem:s21], [sflag:$0x1] =	stream.indirect.gather [hbm4b:s1+s20], $0x80, s25, s20, $0xb8;
	[tilespmem:$0x1E080] =	vst v63  }
0x79: {  	_ = 	snop  }
0x7a: {  	[spmem:s2] =	stream.indirect.scatter.add.f32 [tilespmem:s23], [sflag:$0x3], $0x80, s28, s20, $0xb8;
	[tilespmem:$0x1E080] =	vst v63  }
0x7b: {  	_ =	swait.ge [sflag:s14], $0x3E80  }
0x7c: {  	[sflag:s14] =	ssyncset.done $0x0  }
0x7d: {  	[sflag:s14] =	ssyncadd.s32 $0xFFFFC180  }
0x7e: {  	_ =	swait.ge [sflag:s22], $0x3E80  }
0x7f: {  	[sflag:s22] =	ssyncset.done $0x0  }
0x80: {  	s7 =	simm.s32 $0x0;
	[sflag:s22] =	ssyncadd.s32 $0xFFFFC180  }
0x81: {  	[tilespmem:s7], [sflag:$0x3] =	stream.linear.gather [hbm4b:s9+s7], $0x1400, $0x38;
	[tilespmem:$0x1E080] =	vst v63  }
0x82: {  	_ =	swait.ge [sflag:s14], $0x1400  }
0x83: {  	[sflag:s14] =	ssyncset.done $0x0  }
0x84: {  	[sflag:s14] =	ssyncadd.s32 $0xFFFFEC00  }
0x85: {  	[tilespmem:s19], [sflag:$0x3] =	stream.linear.gather [hbm4b:s10+s7], $0x1400, $0x38;
	[tilespmem:$0x1E080] =	vst v63  }
0x86: {  	_ =	swait.ge [sflag:s14], $0x1400  }
0x87: {  	[sflag:s14] =	ssyncset.done $0x0  }
0x88: {  	[sflag:s14] =	ssyncadd.s32 $0xFFFFEC00  }
0x89: {  	[tilespmem:s21], [sflag:$0x1] =	stream.indirect.gather [hbm4b:s1+s20], $0x80, s7, s20, $0xb8;
	[tilespmem:$0x1E080] =	vst v63  }
0x8a: {  	_ =	swait.ge [sflag:s22], $0x3E80  }
0x8b: {  	[sflag:s22] =	ssyncset.done $0x0  }
0x8c: {  	s3 =	simm.s32 $0x80;
	[sflag:s22] =	ssyncadd.s32 $0xFFFFC180  }
0x8d: {  	[tilespmem:s23], [sflag:$0x2] =	stream.indirect.gather [hbm4b:s1+s20], $0x80, s3, s20, $0xb8;
	[tilespmem:$0x1E080] =	vst v63  }
0x8e: {  	s7 =	simm.s32 $0x1400  }
0x8f: {  	[spmem:s2] =	stream.indirect.scatter.add.f32 [tilespmem:s21], [sflag:$0x3], $0x80, s7, s20, $0xb8;
	[tilespmem:$0x1E080] =	vst v63  }
0x90: {  	_ =	swait.ge [sflag:s14], $0x3E80  }
0x91: {  	[sflag:s14] =	ssyncset.done $0x0  }
0x92: {  	[sflag:s14] =	ssyncadd.s32 $0xFFFFC180  }
0x93: {  	_ =	swait.ge [sflag:s24], $0x3E80  }
0x94: {  	[sflag:s24] =	ssyncset.done $0x0  }
0x95: {  	s3 =	simm.s32 $0x100;
	[sflag:s24] =	ssyncadd.s32 $0xFFFFC180  }
0x96: {  	[tilespmem:s21], [sflag:$0x1] =	stream.indirect.gather [hbm4b:s1+s20], $0x80, s3, s20, $0xb8;
	[tilespmem:$0x1E080] =	vst v63  }
0x97: {  	s7 =	simm.s32 $0x1480  }
0x98: {  	[spmem:s2] =	stream.indirect.scatter.add.f32 [tilespmem:s23], [sflag:$0x3], $0x80, s7, s20, $0xb8;
	[tilespmem:$0x1E080] =	vst v63  }
0x99: {  	_ =	swait.ge [sflag:s14], $0x3E80  }
0x9a: {  	[sflag:s14] =	ssyncset.done $0x0  }
0x9b: {  	[sflag:s14] =	ssyncadd.s32 $0xFFFFC180  }
0x9c: {  	_ =	swait.ge [sflag:s22], $0x3E80  }
0x9d: {  	s31 =	simm.s32 $0x800;
	s30 =	simm.s32 $0x100;
	[sflag:s22] =	ssyncset.done $0x0  }
.LBB2_4:
0x9e: {  	s0 =	sadd.s32 $0x80, s30  }
0x9f: {  	[sflag:s22] =	ssyncadd.s32 $0xFFFFC180;
	s3 =	smov.u32 s31;
	s7 =	sadd.s32 $0x400, s31  }
0xa0: {  	[tilespmem:s23], [sflag:$0x2] =	stream.indirect.gather [hbm4b:s1+s20], $0x80, s0, s20, $0xb8;
	[tilespmem:$0x1E080] =	vst v63  }
0xa1: {  	p0 =	sne.s32 s31, $0x4800;
	s0 =	sadd.s32 $0x1400, s30  }
0xa2: {  	[spmem:s2] =	stream.indirect.scatter.add.f32 [tilespmem:s21], [sflag:$0x3], $0x80, s0, s20, $0xb8;
	[tilespmem:$0x1E080] =	vst v63  }
0xa3: {  	_ =	swait.ge [sflag:s14], $0x3E80  }
0xa4: {  	[sflag:s14] =	ssyncset.done $0x0  }
0xa5: {  	[sflag:s14] =	ssyncadd.s32 $0xFFFFC180  }
0xa6: {  	_ =	swait.ge [sflag:s24], $0x3E80  }
0xa7: {  	[sflag:s24] =	ssyncset.done $0x0  }
0xa8: {  	s0 =	sadd.s32 $0x100, s30;
	[sflag:s24] =	ssyncadd.s32 $0xFFFFC180  }
0xa9: {  	[tilespmem:s21], [sflag:$0x1] =	stream.indirect.gather [hbm4b:s1+s20], $0x80, s0, s20, $0xb8;
	[tilespmem:$0x1E080] =	vst v63  }
0xaa: {  	s0 =	sadd.s32 $0x1480, s30  }
0xab: {  	[spmem:s2] =	stream.indirect.scatter.add.f32 [tilespmem:s23], [sflag:$0x3], $0x80, s0, s20, $0xb8;
	[tilespmem:$0x1E080] =	vst v63  }
.Ltmp1:
0xac: {  	_ =	swait.ge [sflag:s14], $0x3E80;
	(pc) =	sbr.rel @p0 .LBB2_4-.Ltmp1, $4  }
0xad: {  	[sflag:s14] =	ssyncset.done $0x0  }
0xae: {  	[sflag:s14] =	ssyncadd.s32 $0xFFFFC180  }
0xaf: {  	_ =	swait.ge [sflag:s22], $0x3E80  }
0xb0: {  	s31 =	smov.u32 s7;
	s30 =	sshra.s32 s3, $0x2;
	[sflag:s22] =	ssyncset.done $0x0  }
0xb1: {  	s0 =	sadd.s32 $0x80, s30;
	[sflag:s22] =	ssyncadd.s32 $0xFFFFC180  }
0xb2: {  	[tilespmem:s23], [sflag:$0x2] =	stream.indirect.gather [hbm4b:s1+s20], $0x80, s0, s20, $0xb8;
	[tilespmem:$0x1E080] =	vst v63  }
0xb3: {  	s3 =	sadd.s32 $0x1400, s30  }
0xb4: {  	[spmem:s2] =	stream.indirect.scatter.add.f32 [tilespmem:s21], [sflag:$0x3], $0x80, s3, s20, $0xb8;
	[tilespmem:$0x1E080] =	vst v63  }
0xb5: {  	_ =	swait.ge [sflag:s14], $0x3E80  }
0xb6: {  	[sflag:s14] =	ssyncset.done $0x0  }
0xb7: {  	[sflag:s14] =	ssyncadd.s32 $0xFFFFC180  }
0xb8: {  	_ =	swait.ge [sflag:s24], $0x3E80  }
0xb9: {  	[sflag:s24] =	ssyncset.done $0x0  }
0xba: {  	s7 =	sadd.s32 $0x100, s30;
	[sflag:s24] =	ssyncadd.s32 $0xFFFFC180  }
0xbb: {  	[tilespmem:s21], [sflag:$0x1] =	stream.indirect.gather [hbm4b:s1+s20], $0x80, s7, s20, $0xb8;
	[tilespmem:$0x1E080] =	vst v63  }
0xbc: {  	s31 =	sadd.s32 $0x1480, s30  }
0xbd: {  	[spmem:s2] =	stream.indirect.scatter.add.f32 [tilespmem:s23], [sflag:$0x3], $0x80, s31, s20, $0xb8;
	[tilespmem:$0x1E080] =	vst v63  }
0xbe: {  	_ =	swait.ge [sflag:s14], $0x3E80  }
0xbf: {  	[sflag:s14] =	ssyncset.done $0x0  }
0xc0: {  	[sflag:s14] =	ssyncadd.s32 $0xFFFFC180  }
0xc1: {  	_ =	swait.ge [sflag:s22], $0x3E80  }
0xc2: {  	[sflag:s22] =	ssyncset.done $0x0  }
0xc3: {  	[sflag:s22] =	ssyncadd.s32 $0xFFFFC180  }
0xc4: {  	[tilespmem:s23], [sflag:$0x2] =	stream.indirect.gather [hbm4b:s1+s20], $0x80, s25, s20, $0xb8;
	[tilespmem:$0x1E080] =	vst v63  }
0xc5: {  	_ = 	snop  }
0xc6: {  	[spmem:s2] =	stream.indirect.scatter.add.f32 [tilespmem:s21], [sflag:$0x3], $0x80, s26, s20, $0xb8;
	[tilespmem:$0x1E080] =	vst v63  }
0xc7: {  	_ =	swait.ge [sflag:s14], $0x3E80  }
0xc8: {  	[sflag:s14] =	ssyncset.done $0x0  }
0xc9: {  	[sflag:s14] =	ssyncadd.s32 $0xFFFFC180  }
0xca: {  	_ =	swait.ge [sflag:s24], $0x3E80  }
0xcb: {  	[sflag:s24] =	ssyncset.done $0x0  }
0xcc: {  	[sflag:s24] =	ssyncadd.s32 $0xFFFFC180  }
0xcd: {  	[tilespmem:s21], [sflag:$0x1] =	stream.indirect.gather [hbm4b:s1+s20], $0x80, s25, s20, $0xb8;
	[tilespmem:$0x1E080] =	vst v63  }
0xce: {  	_ = 	snop  }
0xcf: {  	[spmem:s2] =	stream.indirect.scatter.add.f32 [tilespmem:s23], [sflag:$0x3], $0x80, s28, s20, $0xb8;
	[tilespmem:$0x1E080] =	vst v63  }
0xd0: {  	_ =	swait.ge [sflag:s14], $0x3E80  }
0xd1: {  	[sflag:s14] =	ssyncset.done $0x0  }
0xd2: {  	[sflag:s14] =	ssyncadd.s32 $0xFFFFC180  }
0xd3: {  	_ =	swait.ge [sflag:s22], $0x3E80  }
0xd4: {  	s29 =	sadd.s32 $0x1, s29;
	[sflag:s22] =	ssyncset.done $0x0  }
0xd5: {  	p0 =	sne.s32 s29, s12;
	[sflag:s22] =	ssyncadd.s32 $0xFFFFC180  }
.Ltmp2:
0xd6: {  	[bflag:$0x0] =	sbarrier.arrive $0xFFFF;
	(pc) =	sbr.rel @p0 .LBB2_1-.Ltmp2, $4  }
0xd7: {  	[hbm:s11], [sflag:s6] =	dma.local [spmem:s13], $0x2710  }
0xd8: {  	_ =	swait.ge [sflag:s14], $0x2710  }
0xd9: {  	[sflag:s14] =	ssyncset.done $0x0  }
0xda: {  	[sflag:s14] =	ssyncadd.s32 $0xFFFFD8F0  }
0xdb: {  	_ =	sfence.sel $0x180000  }
0xdc: {  	[bflag:$0x0] =	sbarrier.arrive $0xFFFF  }
0xdd: {  	_ =	strace $0x9000004A  }
0xde: {  	s0 =	stileid.u32;
	[bflag:$0x2] =	sbarrier.arrive $0xFFFF  }
0xdf: {  	p0 =	sne.s32 s0, $0x0;
	s0 =	rddreg [dreg:$0x3]  }
0xe0: {  	s0 =	sadd.s32 @!p0 $0x100000, s0  }
0xe1: {  	[sflag:s0] =	ssyncadd.tile.s32 @!p0 $0x1;
	_ =	shalt  }
.Lfunc_end2:
_tile_overlayer_lowered:
.L_overlay_start_2:
0xe2: {  	(tag) =	ssettag $0x2  }
0xe3: {  	s0 =	rddreg [dreg:$0x0];
	s2 =	stileid.u32  }
0xe4: {  	s1 =	rddreg [dreg:$0x1];
	p0 =	sne.s32 s2, $0x0  }
0xe5: {  	s3 =	rddreg [dreg:$0x2];
	[bflag:$0x3] =	sbarrier.arrive $0xFFFF;
	s2 =	simm.s32 @!p0 $0x1C03  }
0xe6: {  	[timem:s3], [sflag:s2] =	dma.local @!p0 [hbm:s0], s1  }
0xe7: {  	s0 =	simm.s32 @!p0 $0x3  }
0xe8: {  	_ =	swait.ge @!p0 [sflag:s0], s1  }
0xe9: {  	s1 =	ssub.s32 @!p0 $0x0, s1;
	[sflag:s0] =	ssyncset.done @!p0 $0x0  }
0xea: {  	[sflag:s0] =	ssyncadd.s32 @!p0 s1  }
0xeb: {  	[bflag:$0x3] =	sbarrier.arrive $0xFFFF  }
0xec: {  	_ =	shalt  }

</sc_bundles>
